<compile_context>
chip_gen: v7x
topology: tpu7x:2x2x1
jax: 0.10.2.dev20260603
libtpu: 0.0.44.dev20260713+nightly
codegen_flags: <defaults>
</compile_context>

<pallas_src>
import functools

import jax
import jax.numpy as jnp
from jax import lax
from jax.experimental import pallas as pl
from jax.experimental.pallas import tpu as pltpu
from jax.experimental.pallas import tpu_sc as plsc

VOCAB = 100000
D = 768
B = 4
S = 2048

NW = 32
P = S // NW
CHUNK = 16
NCHUNK = (B * P) // CHUNK
LANES = 16
COLV = D // LANES
RB = CHUNK.bit_length() - 1

_mesh = plsc.VectorSubcoreMesh(core_axis_name="c", subcore_axis_name="s")


NBUF = 4


@functools.partial(
    pl.kernel,
    mesh=_mesh,
    out_type=jax.ShapeDtypeStruct((B * S, D), jnp.float32),
    scratch_types=[
        pltpu.VMEM((B * P,), jnp.int32),
        pltpu.VMEM((P, D), jnp.float32),
        pltpu.VMEM((CHUNK, D), jnp.float32),
        pltpu.VMEM((CHUNK, D), jnp.float32),
        pltpu.VMEM((CHUNK, D), jnp.float32),
        pltpu.VMEM((CHUNK, D), jnp.float32),
        pltpu.SemaphoreType.DMA,
        pltpu.SemaphoreType.DMA,
        pltpu.SemaphoreType.DMA,
        pltpu.SemaphoreType.DMA,
        pltpu.SemaphoreType.DMA,
        pltpu.SemaphoreType.DMA,
        pltpu.SemaphoreType.DMA,
        pltpu.SemaphoreType.DMA,
        pltpu.SemaphoreType.DMA,
        pltpu.SemaphoreType.DMA,
        pltpu.SemaphoreType.DMA,
        pltpu.SemaphoreType.DMA,
        pltpu.SemaphoreType.DMA,
        pltpu.SemaphoreType.DMA,
    ],
)
def _emb_kernel(x_hbm, tok_hbm, pos_hbm, out_hbm,
                idx_v, pos_v, tok0, tok1, tok2, tok3,
                gsem0, gsem1, gsem2, gsem3, wsem0, wsem1, wsem2, wsem3,
                psem0, psem1,
                isem0, isem1, isem2, isem3):
    cid = lax.axis_index("c")
    sid = lax.axis_index("s")
    wid = sid * 2 + cid
    p0 = wid * P

    isems = (isem0, isem1, isem2, isem3)
    idx_hs = [pltpu.async_copy(x_hbm.at[b, pl.ds(p0, P)],
                               idx_v.at[pl.ds(b * P, P)], isems[b])
              for b in range(B)]
    HALF = P // 2
    pos_h0 = pltpu.async_copy(pos_hbm.at[pl.ds(p0, HALF)],
                              pos_v.at[pl.ds(0, HALF), :], psem0)
    pos_h1 = pltpu.async_copy(pos_hbm.at[pl.ds(p0 + HALF, HALF)],
                              pos_v.at[pl.ds(HALF, HALF), :], psem1)
    for h_ in idx_hs:
        h_.wait()

    bufs = (tok0, tok1, tok2, tok3)
    gsems = (gsem0, gsem1, gsem2, gsem3)
    wsems = (wsem0, wsem1, wsem2, wsem3)
    wb = [None] * NBUF
    gh = [None] * NCHUNK

    CHUNKS = [(b, h) for h in range(P // CHUNK) for b in range(B)]

    def start_gather(j):
        k = j % NBUF
        if wb[k] is not None:
            wb[k].wait()
        b, h = CHUNKS[j]
        return pltpu.async_copy(
            tok_hbm.at[idx_v.at[pl.ds((b * (P // CHUNK) + h) * CHUNK, CHUNK)]],
            bufs[k], gsems[k])

    for j in range(NBUF - 1):
        gh[j] = start_gather(j)
    pos_h0.wait()

    for g in range(NCHUNK):
        if g == NCHUNK // 2:
            pos_h1.wait()
        gh[g].wait()
        k = g % NBUF
        buf = bufs[k]
        b, h = CHUNKS[g]
        prow0 = h * CHUNK

        @plsc.parallel_loop(0, CHUNK * COLV, 1, unroll=8)
        def _(i, buf=buf, prow0=prow0):
            sl = pl.ds(pl.multiple_of((i >> RB) << 4, LANES), LANES)
            r = i & (CHUNK - 1)
            plsc.addupdate(buf.at[r, sl], pos_v[prow0 + r, sl])

        if g + NBUF - 1 < NCHUNK:
            gh[g + NBUF - 1] = start_gather(g + NBUF - 1)
        out_base = b * S + p0 + h * CHUNK
        wb[k] = pltpu.async_copy(buf, out_hbm.at[pl.ds(out_base, CHUNK)],
                                 wsems[k])

    for k in range(NBUF):
        wb[k].wait()


def kernel(x, tok_table, pos_table):
    out = _emb_kernel(x.astype(jnp.int32), tok_table, pos_table)
    return out.reshape(B, S, D)

# --- scband reference (transcript-rebuilt; emitter-appended) ---
"""Pipeline reference for scband-embedding-layer-54382875902557 (READ-ONLY COPY).

The authoritative reference and input builder live on the scoring server;
editing this copy changes nothing except your own understanding.
"""

import jax, jax.numpy as jnp
import numpy as np

VOCAB = 100000
D_CONTEXT = 2048
D_MODEL = 768
BATCH = 4
SEQ = 2048

def setup_inputs(seed: int = 0) -> dict:
    key = jax.random.key(seed)
    k1, k2, k3 = jax.random.split(key, 3)
    x = jax.random.randint(k1, (BATCH, SEQ), 0, VOCAB, dtype=jnp.int64 if jax.config.jax_enable_x64 else jnp.int32)
    tok_table = jax.random.normal(k2, (VOCAB, D_MODEL), dtype=jnp.float32) * 0.02
    pos_table = jax.random.normal(k3, (D_CONTEXT, D_MODEL), dtype=jnp.float32) * 0.02
    return {"x": x, "tok_table": tok_table, "pos_table": pos_table}

def reference(x, tok_table, pos_table):
    # token embedding gather
    tok_emb = jnp.take(tok_table, x, axis=0)            # [B, S, D]
    positions = jnp.arange(x.shape[1])                  # [S]
    pos_emb = jnp.take(pos_table, positions, axis=0)    # [S, D]
    # dropout p=0.0 -> identity
    return tok_emb + pos_emb[None, :, :]

if __name__ == "__main__":
    import jax
    _d = setup_inputs()
    print(jax.jit(kernel)(*tuple(_d.values())))

</pallas_src>

<mosaic_0001>
#map = affine_map<(d0, d1) -> (0, 0)>
module attributes {stable_mosaic.version = 14 : i64} {
  func.func @_emb_kernel(%arg0: i32, %arg1: i32, %arg2: memref<4x2048xi32, #tpu.memory_space<hbm>>, %arg3: memref<100000x768xf32, #tpu.memory_space<hbm>>, %arg4: memref<2048x768xf32, #tpu.memory_space<hbm>>, %arg5: memref<8192x768xf32, #tpu.memory_space<hbm>>, %arg6: memref<256xi32, #tpu.memory_space<vmem>>, %arg7: memref<64x768xf32, #tpu.memory_space<vmem>>, %arg8: memref<16x768xf32, #tpu.memory_space<vmem>>, %arg9: memref<16x768xf32, #tpu.memory_space<vmem>>, %arg10: memref<16x768xf32, #tpu.memory_space<vmem>>, %arg11: memref<16x768xf32, #tpu.memory_space<vmem>>, %arg12: memref<!tpu.dma_semaphore, #tpu.memory_space<semaphore_mem>>, %arg13: memref<!tpu.dma_semaphore, #tpu.memory_space<semaphore_mem>>, %arg14: memref<!tpu.dma_semaphore, #tpu.memory_space<semaphore_mem>>, %arg15: memref<!tpu.dma_semaphore, #tpu.memory_space<semaphore_mem>>, %arg16: memref<!tpu.dma_semaphore, #tpu.memory_space<semaphore_mem>>, %arg17: memref<!tpu.dma_semaphore, #tpu.memory_space<semaphore_mem>>, %arg18: memref<!tpu.dma_semaphore, #tpu.memory_space<semaphore_mem>>, %arg19: memref<!tpu.dma_semaphore, #tpu.memory_space<semaphore_mem>>, %arg20: memref<!tpu.dma_semaphore, #tpu.memory_space<semaphore_mem>>, %arg21: memref<!tpu.dma_semaphore, #tpu.memory_space<semaphore_mem>>, %arg22: memref<!tpu.dma_semaphore, #tpu.memory_space<semaphore_mem>>, %arg23: memref<!tpu.dma_semaphore, #tpu.memory_space<semaphore_mem>>, %arg24: memref<!tpu.dma_semaphore, #tpu.memory_space<semaphore_mem>>, %arg25: memref<!tpu.dma_semaphore, #tpu.memory_space<semaphore_mem>>) attributes {dimension_semantics = [#tpu.dimension_semantics<core_parallel>, #tpu.dimension_semantics<subcore_parallel>], iteration_bounds = array<i64: 2, 16>, scalar_prefetch = 0 : i64, scratch_operands = 20 : i64, tpu.core_type = #tpu.core_type<sc_vector_subcore>, window_params = [{transform_indices = #map}, {transform_indices = #map}, {transform_indices = #map}, {transform_indices = #map}]} {
    %mul3A = arith.constant 2 : i32
    %mul3A_0 = arith.muli %arg1, %mul3A : i32
    %add3A = arith.addi %mul3A_0, %arg0 : i32
    %mul3A_1 = arith.constant 64 : i32
    %mul3A_2 = arith.muli %add3A, %mul3A_1 : i32
    %dma_start3A = arith.constant 0 : i32
    %dma_start3A_3 = arith.constant 0 : i32
    %dma_start3A_4 = tpu.memref_slice %arg6[%dma_start3A_3] : memref<256xi32, #tpu.memory_space<vmem>> -> memref<64xi32, #tpu.memory_space<vmem>>
    %dma_start3A_5 = tpu.memref_slice %arg2[%dma_start3A, %mul3A_2] : memref<4x2048xi32, #tpu.memory_space<hbm>> -> memref<1x64xi32, #tpu.memory_space<hbm>>
    %dma_start3A_6 = tpu.memref_squeeze %dma_start3A_5 : memref<1x64xi32, #tpu.memory_space<hbm>> -> memref<64xi32, #tpu.memory_space<hbm>>
    %dma_start3A_7 = arith.constant 0 : i32
    %dma_start3A_8 = tpu.memref_slice %arg6[%dma_start3A_7] : memref<256xi32, #tpu.memory_space<vmem>> -> memref<64xi32, #tpu.memory_space<vmem>>
    %dma_start3A_9 = tpu.memref_slice %arg2[%dma_start3A, %mul3A_2] : memref<4x2048xi32, #tpu.memory_space<hbm>> -> memref<1x64xi32, #tpu.memory_space<hbm>>
    %dma_start3A_10 = tpu.memref_squeeze %dma_start3A_9 : memref<1x64xi32, #tpu.memory_space<hbm>> -> memref<64xi32, #tpu.memory_space<hbm>>
    tpu.enqueue_dma source(%dma_start3A_10 : memref<64xi32, #tpu.memory_space<hbm>>) target(%dma_start3A_8 : memref<64xi32, #tpu.memory_space<vmem>>) target_semaphore(%arg22 : memref<!tpu.dma_semaphore, #tpu.memory_space<semaphore_mem>>)
    %dma_start3A_11 = arith.constant 1 : i32
    %dma_start3A_12 = arith.constant 64 : i32
    %dma_start3A_13 = tpu.memref_slice %arg6[%dma_start3A_12] : memref<256xi32, #tpu.memory_space<vmem>> -> memref<64xi32, #tpu.memory_space<vmem>>
    %dma_start3A_14 = tpu.memref_slice %arg2[%dma_start3A_11, %mul3A_2] : memref<4x2048xi32, #tpu.memory_space<hbm>> -> memref<1x64xi32, #tpu.memory_space<hbm>>
    %dma_start3A_15 = tpu.memref_squeeze %dma_start3A_14 : memref<1x64xi32, #tpu.memory_space<hbm>> -> memref<64xi32, #tpu.memory_space<hbm>>
    %dma_start3A_16 = arith.constant 64 : i32
    %dma_start3A_17 = tpu.memref_slice %arg6[%dma_start3A_16] : memref<256xi32, #tpu.memory_space<vmem>> -> memref<64xi32, #tpu.memory_space<vmem>>
    %dma_start3A_18 = tpu.memref_slice %arg2[%dma_start3A_11, %mul3A_2] : memref<4x2048xi32, #tpu.memory_space<hbm>> -> memref<1x64xi32, #tpu.memory_space<hbm>>
    %dma_start3A_19 = tpu.memref_squeeze %dma_start3A_18 : memref<1x64xi32, #tpu.memory_space<hbm>> -> memref<64xi32, #tpu.memory_space<hbm>>
    tpu.enqueue_dma source(%dma_start3A_19 : memref<64xi32, #tpu.memory_space<hbm>>) target(%dma_start3A_17 : memref<64xi32, #tpu.memory_space<vmem>>) target_semaphore(%arg23 : memref<!tpu.dma_semaphore, #tpu.memory_space<semaphore_mem>>)
    %dma_start3A_20 = arith.constant 2 : i32
    %dma_start3A_21 = arith.constant 128 : i32
    %dma_start3A_22 = tpu.memref_slice %arg6[%dma_start3A_21] : memref<256xi32, #tpu.memory_space<vmem>> -> memref<64xi32, #tpu.memory_space<vmem>>
    %dma_start3A_23 = tpu.memref_slice %arg2[%dma_start3A_20, %mul3A_2] : memref<4x2048xi32, #tpu.memory_space<hbm>> -> memref<1x64xi32, #tpu.memory_space<hbm>>
    %dma_start3A_24 = tpu.memref_squeeze %dma_start3A_23 : memref<1x64xi32, #tpu.memory_space<hbm>> -> memref<64xi32, #tpu.memory_space<hbm>>
    %dma_start3A_25 = arith.constant 128 : i32
    %dma_start3A_26 = tpu.memref_slice %arg6[%dma_start3A_25] : memref<256xi32, #tpu.memory_space<vmem>> -> memref<64xi32, #tpu.memory_space<vmem>>
    %dma_start3A_27 = tpu.memref_slice %arg2[%dma_start3A_20, %mul3A_2] : memref<4x2048xi32, #tpu.memory_space<hbm>> -> memref<1x64xi32, #tpu.memory_space<hbm>>
    %dma_start3A_28 = tpu.memref_squeeze %dma_start3A_27 : memref<1x64xi32, #tpu.memory_space<hbm>> -> memref<64xi32, #tpu.memory_space<hbm>>
    tpu.enqueue_dma source(%dma_start3A_28 : memref<64xi32, #tpu.memory_space<hbm>>) target(%dma_start3A_26 : memref<64xi32, #tpu.memory_space<vmem>>) target_semaphore(%arg24 : memref<!tpu.dma_semaphore, #tpu.memory_space<semaphore_mem>>)
    %dma_start3A_29 = arith.constant 3 : i32
    %dma_start3A_30 = arith.constant 192 : i32
    %dma_start3A_31 = tpu.memref_slice %arg6[%dma_start3A_30] : memref<256xi32, #tpu.memory_space<vmem>> -> memref<64xi32, #tpu.memory_space<vmem>>
    %dma_start3A_32 = tpu.memref_slice %arg2[%dma_start3A_29, %mul3A_2] : memref<4x2048xi32, #tpu.memory_space<hbm>> -> memref<1x64xi32, #tpu.memory_space<hbm>>
    %dma_start3A_33 = tpu.memref_squeeze %dma_start3A_32 : memref<1x64xi32, #tpu.memory_space<hbm>> -> memref<64xi32, #tpu.memory_space<hbm>>
    %dma_start3A_34 = arith.constant 192 : i32
    %dma_start3A_35 = tpu.memref_slice %arg6[%dma_start3A_34] : memref<256xi32, #tpu.memory_space<vmem>> -> memref<64xi32, #tpu.memory_space<vmem>>
    %dma_start3A_36 = tpu.memref_slice %arg2[%dma_start3A_29, %mul3A_2] : memref<4x2048xi32, #tpu.memory_space<hbm>> -> memref<1x64xi32, #tpu.memory_space<hbm>>
    %dma_start3A_37 = tpu.memref_squeeze %dma_start3A_36 : memref<1x64xi32, #tpu.memory_space<hbm>> -> memref<64xi32, #tpu.memory_space<hbm>>
    tpu.enqueue_dma source(%dma_start3A_37 : memref<64xi32, #tpu.memory_space<hbm>>) target(%dma_start3A_35 : memref<64xi32, #tpu.memory_space<vmem>>) target_semaphore(%arg25 : memref<!tpu.dma_semaphore, #tpu.memory_space<semaphore_mem>>)
    %dma_start3A_38 = arith.constant 0 : i32
    %dma_start3A_39 = arith.constant 0 : i32
    %dma_start3A_40 = tpu.memref_slice %arg7[%dma_start3A_38, %dma_start3A_39] : memref<64x768xf32, #tpu.memory_space<vmem>> -> memref<32x768xf32, #tpu.memory_space<vmem>>
    %dma_start3A_41 = arith.constant 0 : i32
    %dma_start3A_42 = tpu.memref_slice %arg4[%mul3A_2, %dma_start3A_41] : memref<2048x768xf32, #tpu.memory_space<hbm>> -> memref<32x768xf32, #tpu.memory_space<hbm>>
    %dma_start3A_43 = arith.constant 0 : i32
    %dma_start3A_44 = arith.constant 0 : i32
    %dma_start3A_45 = tpu.memref_slice %arg7[%dma_start3A_43, %dma_start3A_44] : memref<64x768xf32, #tpu.memory_space<vmem>> -> memref<32x768xf32, #tpu.memory_space<vmem>>
    %dma_start3A_46 = arith.constant 0 : i32
    %dma_start3A_47 = tpu.memref_slice %arg4[%mul3A_2, %dma_start3A_46] : memref<2048x768xf32, #tpu.memory_space<hbm>> -> memref<32x768xf32, #tpu.memory_space<hbm>>
    tpu.enqueue_dma source(%dma_start3A_47 : memref<32x768xf32, #tpu.memory_space<hbm>>) target(%dma_start3A_45 : memref<32x768xf32, #tpu.memory_space<vmem>>) target_semaphore(%arg20 : memref<!tpu.dma_semaphore, #tpu.memory_space<semaphore_mem>>)
    %add3A_48 = arith.constant 32 : i32
    %add3A_49 = arith.addi %mul3A_2, %add3A_48 : i32
    %dma_start3A_50 = arith.constant 32 : i32
    %dma_start3A_51 = arith.constant 0 : i32
    %dma_start3A_52 = tpu.memref_slice %arg7[%dma_start3A_50, %dma_start3A_51] : memref<64x768xf32, #tpu.memory_space<vmem>> -> memref<32x768xf32, #tpu.memory_space<vmem>>
    %dma_start3A_53 = arith.constant 0 : i32
    %dma_start3A_54 = tpu.memref_slice %arg4[%add3A_49, %dma_start3A_53] : memref<2048x768xf32, #tpu.memory_space<hbm>> -> memref<32x768xf32, #tpu.memory_space<hbm>>
    %dma_start3A_55 = arith.constant 32 : i32
    %dma_start3A_56 = arith.constant 0 : i32
    %dma_start3A_57 = tpu.memref_slice %arg7[%dma_start3A_55, %dma_start3A_56] : memref<64x768xf32, #tpu.memory_space<vmem>> -> memref<32x768xf32, #tpu.memory_space<vmem>>
    %dma_start3A_58 = arith.constant 0 : i32
    %dma_start3A_59 = tpu.memref_slice %arg4[%add3A_49, %dma_start3A_58] : memref<2048x768xf32, #tpu.memory_space<hbm>> -> memref<32x768xf32, #tpu.memory_space<hbm>>
    tpu.enqueue_dma source(%dma_start3A_59 : memref<32x768xf32, #tpu.memory_space<hbm>>) target(%dma_start3A_57 : memref<32x768xf32, #tpu.memory_space<vmem>>) target_semaphore(%arg21 : memref<!tpu.dma_semaphore, #tpu.memory_space<semaphore_mem>>)
    %dma_wait3A = arith.constant 0 : i32
    %dma_wait3A_60 = arith.constant 0 : i32
    %dma_wait3A_61 = tpu.memref_slice %arg6[%dma_wait3A_60] : memref<256xi32, #tpu.memory_space<vmem>> -> memref<64xi32, #tpu.memory_space<vmem>>
    %dma_wait3A_62 = tpu.memref_slice %arg2[%dma_wait3A, %mul3A_2] : memref<4x2048xi32, #tpu.memory_space<hbm>> -> memref<1x64xi32, #tpu.memory_space<hbm>>
    %dma_wait3A_63 = tpu.memref_squeeze %dma_wait3A_62 : memref<1x64xi32, #tpu.memory_space<hbm>> -> memref<64xi32, #tpu.memory_space<hbm>>
    %dma_wait3A_64 = arith.constant 0 : i32
    %dma_wait3A_65 = tpu.memref_slice %arg6[%dma_wait3A_64] : memref<256xi32, #tpu.memory_space<vmem>> -> memref<64xi32, #tpu.memory_space<vmem>>
    %dma_wait3A_66 = tpu.memref_slice %arg2[%dma_wait3A, %mul3A_2] : memref<4x2048xi32, #tpu.memory_space<hbm>> -> memref<1x64xi32, #tpu.memory_space<hbm>>
    %dma_wait3A_67 = tpu.memref_squeeze %dma_wait3A_66 : memref<1x64xi32, #tpu.memory_space<hbm>> -> memref<64xi32, #tpu.memory_space<hbm>>
    tpu.wait_dma2 semaphore(%arg22 : memref<!tpu.dma_semaphore, #tpu.memory_space<semaphore_mem>>) src(%dma_wait3A_67 : memref<64xi32, #tpu.memory_space<hbm>>) dst(%dma_wait3A_65 : memref<64xi32, #tpu.memory_space<vmem>>)
    %dma_wait3A_68 = arith.constant 1 : i32
    %dma_wait3A_69 = arith.constant 64 : i32
    %dma_wait3A_70 = tpu.memref_slice %arg6[%dma_wait3A_69] : memref<256xi32, #tpu.memory_space<vmem>> -> memref<64xi32, #tpu.memory_space<vmem>>
    %dma_wait3A_71 = tpu.memref_slice %arg2[%dma_wait3A_68, %mul3A_2] : memref<4x2048xi32, #tpu.memory_space<hbm>> -> memref<1x64xi32, #tpu.memory_space<hbm>>
    %dma_wait3A_72 = tpu.memref_squeeze %dma_wait3A_71 : memref<1x64xi32, #tpu.memory_space<hbm>> -> memref<64xi32, #tpu.memory_space<hbm>>
    %dma_wait3A_73 = arith.constant 64 : i32
    %dma_wait3A_74 = tpu.memref_slice %arg6[%dma_wait3A_73] : memref<256xi32, #tpu.memory_space<vmem>> -> memref<64xi32, #tpu.memory_space<vmem>>
    %dma_wait3A_75 = tpu.memref_slice %arg2[%dma_wait3A_68, %mul3A_2] : memref<4x2048xi32, #tpu.memory_space<hbm>> -> memref<1x64xi32, #tpu.memory_space<hbm>>
    %dma_wait3A_76 = tpu.memref_squeeze %dma_wait3A_75 : memref<1x64xi32, #tpu.memory_space<hbm>> -> memref<64xi32, #tpu.memory_space<hbm>>
    tpu.wait_dma2 semaphore(%arg23 : memref<!tpu.dma_semaphore, #tpu.memory_space<semaphore_mem>>) src(%dma_wait3A_76 : memref<64xi32, #tpu.memory_space<hbm>>) dst(%dma_wait3A_74 : memref<64xi32, #tpu.memory_space<vmem>>)
    %dma_wait3A_77 = arith.constant 2 : i32
    %dma_wait3A_78 = arith.constant 128 : i32
    %dma_wait3A_79 = tpu.memref_slice %arg6[%dma_wait3A_78] : memref<256xi32, #tpu.memory_space<vmem>> -> memref<64xi32, #tpu.memory_space<vmem>>
    %dma_wait3A_80 = tpu.memref_slice %arg2[%dma_wait3A_77, %mul3A_2] : memref<4x2048xi32, #tpu.memory_space<hbm>> -> memref<1x64xi32, #tpu.memory_space<hbm>>
    %dma_wait3A_81 = tpu.memref_squeeze %dma_wait3A_80 : memref<1x64xi32, #tpu.memory_space<hbm>> -> memref<64xi32, #tpu.memory_space<hbm>>
    %dma_wait3A_82 = arith.constant 128 : i32
    %dma_wait3A_83 = tpu.memref_slice %arg6[%dma_wait3A_82] : memref<256xi32, #tpu.memory_space<vmem>> -> memref<64xi32, #tpu.memory_space<vmem>>
    %dma_wait3A_84 = tpu.memref_slice %arg2[%dma_wait3A_77, %mul3A_2] : memref<4x2048xi32, #tpu.memory_space<hbm>> -> memref<1x64xi32, #tpu.memory_space<hbm>>
    %dma_wait3A_85 = tpu.memref_squeeze %dma_wait3A_84 : memref<1x64xi32, #tpu.memory_space<hbm>> -> memref<64xi32, #tpu.memory_space<hbm>>
    tpu.wait_dma2 semaphore(%arg24 : memref<!tpu.dma_semaphore, #tpu.memory_space<semaphore_mem>>) src(%dma_wait3A_85 : memref<64xi32, #tpu.memory_space<hbm>>) dst(%dma_wait3A_83 : memref<64xi32, #tpu.memory_space<vmem>>)
    %dma_wait3A_86 = arith.constant 3 : i32
    %dma_wait3A_87 = arith.constant 192 : i32
    %dma_wait3A_88 = tpu.memref_slice %arg6[%dma_wait3A_87] : memref<256xi32, #tpu.memory_space<vmem>> -> memref<64xi32, #tpu.memory_space<vmem>>
    %dma_wait3A_89 = tpu.memref_slice %arg2[%dma_wait3A_86, %mul3A_2] : memref<4x2048xi32, #tpu.memory_space<hbm>> -> memref<1x64xi32, #tpu.memory_space<hbm>>
    %dma_wait3A_90 = tpu.memref_squeeze %dma_wait3A_89 : memref<1x64xi32, #tpu.memory_space<hbm>> -> memref<64xi32, #tpu.memory_space<hbm>>
    %dma_wait3A_91 = arith.constant 192 : i32
    %dma_wait3A_92 = tpu.memref_slice %arg6[%dma_wait3A_91] : memref<256xi32, #tpu.memory_space<vmem>> -> memref<64xi32, #tpu.memory_space<vmem>>
    %dma_wait3A_93 = tpu.memref_slice %arg2[%dma_wait3A_86, %mul3A_2] : memref<4x2048xi32, #tpu.memory_space<hbm>> -> memref<1x64xi32, #tpu.memory_space<hbm>>
    %dma_wait3A_94 = tpu.memref_squeeze %dma_wait3A_93 : memref<1x64xi32, #tpu.memory_space<hbm>> -> memref<64xi32, #tpu.memory_space<hbm>>
    tpu.wait_dma2 semaphore(%arg25 : memref<!tpu.dma_semaphore, #tpu.memory_space<semaphore_mem>>) src(%dma_wait3A_94 : memref<64xi32, #tpu.memory_space<hbm>>) dst(%dma_wait3A_92 : memref<64xi32, #tpu.memory_space<vmem>>)
    %dma_start3A_95 = arith.constant 0 : i32
    %dma_start3A_96 = tpu.memref_slice %arg6[%dma_start3A_95] : memref<256xi32, #tpu.memory_space<vmem>> -> memref<16xi32, #tpu.memory_space<vmem>>
    %dma_start3A_97 = arith.constant 0 : i32
    %dma_start3A_98 = arith.constant 0 : i32
    %dma_start3A_99 = tpu.memref_slice %arg3[%dma_start3A_97, %dma_start3A_98] : memref<100000x768xf32, #tpu.memory_space<hbm>> -> memref<100000x768xf32, #tpu.memory_space<hbm>>
    tpu.enqueue_indirect_dma source(%dma_start3A_99 : memref<100000x768xf32, #tpu.memory_space<hbm>>) target(%arg8 : memref<16x768xf32, #tpu.memory_space<vmem>>) offsets(%dma_start3A_96 : memref<16xi32, #tpu.memory_space<vmem>>) semaphore(%arg12 : memref<!tpu.dma_semaphore, #tpu.memory_space<semaphore_mem>>)
    %dma_start3A_100 = arith.constant 64 : i32
    %dma_start3A_101 = tpu.memref_slice %arg6[%dma_start3A_100] : memref<256xi32, #tpu.memory_space<vmem>> -> memref<16xi32, #tpu.memory_space<vmem>>
    %dma_start3A_102 = arith.constant 0 : i32
    %dma_start3A_103 = arith.constant 0 : i32
    %dma_start3A_104 = tpu.memref_slice %arg3[%dma_start3A_102, %dma_start3A_103] : memref<100000x768xf32, #tpu.memory_space<hbm>> -> memref<100000x768xf32, #tpu.memory_space<hbm>>
    tpu.enqueue_indirect_dma source(%dma_start3A_104 : memref<100000x768xf32, #tpu.memory_space<hbm>>) target(%arg9 : memref<16x768xf32, #tpu.memory_space<vmem>>) offsets(%dma_start3A_101 : memref<16xi32, #tpu.memory_space<vmem>>) semaphore(%arg13 : memref<!tpu.dma_semaphore, #tpu.memory_space<semaphore_mem>>)
    %dma_start3A_105 = arith.constant 128 : i32
    %dma_start3A_106 = tpu.memref_slice %arg6[%dma_start3A_105] : memref<256xi32, #tpu.memory_space<vmem>> -> memref<16xi32, #tpu.memory_space<vmem>>
    %dma_start3A_107 = arith.constant 0 : i32
    %dma_start3A_108 = arith.constant 0 : i32
    %dma_start3A_109 = tpu.memref_slice %arg3[%dma_start3A_107, %dma_start3A_108] : memref<100000x768xf32, #tpu.memory_space<hbm>> -> memref<100000x768xf32, #tpu.memory_space<hbm>>
    tpu.enqueue_indirect_dma source(%dma_start3A_109 : memref<100000x768xf32, #tpu.memory_space<hbm>>) target(%arg10 : memref<16x768xf32, #tpu.memory_space<vmem>>) offsets(%dma_start3A_106 : memref<16xi32, #tpu.memory_space<vmem>>) semaphore(%arg14 : memref<!tpu.dma_semaphore, #tpu.memory_space<semaphore_mem>>)
    %dma_wait3A_110 = arith.constant 0 : i32
    %dma_wait3A_111 = arith.constant 0 : i32
    %dma_wait3A_112 = tpu.memref_slice %arg7[%dma_wait3A_110, %dma_wait3A_111] : memref<64x768xf32, #tpu.memory_space<vmem>> -> memref<32x768xf32, #tpu.memory_space<vmem>>
    %dma_wait3A_113 = arith.constant 0 : i32
    %dma_wait3A_114 = tpu.memref_slice %arg4[%mul3A_2, %dma_wait3A_113] : memref<2048x768xf32, #tpu.memory_space<hbm>> -> memref<32x768xf32, #tpu.memory_space<hbm>>
    %dma_wait3A_115 = arith.constant 0 : i32
    %dma_wait3A_116 = arith.constant 0 : i32
    %dma_wait3A_117 = tpu.memref_slice %arg7[%dma_wait3A_115, %dma_wait3A_116] : memref<64x768xf32, #tpu.memory_space<vmem>> -> memref<32x768xf32, #tpu.memory_space<vmem>>
    %dma_wait3A_118 = arith.constant 0 : i32
    %dma_wait3A_119 = tpu.memref_slice %arg4[%mul3A_2, %dma_wait3A_118] : memref<2048x768xf32, #tpu.memory_space<hbm>> -> memref<32x768xf32, #tpu.memory_space<hbm>>
    tpu.wait_dma2 semaphore(%arg20 : memref<!tpu.dma_semaphore, #tpu.memory_space<semaphore_mem>>) src(%dma_wait3A_119 : memref<32x768xf32, #tpu.memory_space<hbm>>) dst(%dma_wait3A_117 : memref<32x768xf32, #tpu.memory_space<vmem>>)
    %dma_wait3A_120 = arith.constant 0 : i32
    %dma_wait3A_121 = tpu.memref_slice %arg6[%dma_wait3A_120] : memref<256xi32, #tpu.memory_space<vmem>> -> memref<16xi32, #tpu.memory_space<vmem>>
    %dma_wait3A_122 = arith.constant 0 : i32
    %dma_wait3A_123 = arith.constant 0 : i32
    %dma_wait3A_124 = tpu.memref_slice %arg3[%dma_wait3A_122, %dma_wait3A_123] : memref<100000x768xf32, #tpu.memory_space<hbm>> -> memref<100000x768xf32, #tpu.memory_space<hbm>>
    tpu.wait_indirect_dma semaphore(%arg12 : memref<!tpu.dma_semaphore, #tpu.memory_space<semaphore_mem>>) src(%dma_wait3A_124 : memref<100000x768xf32, #tpu.memory_space<hbm>>) dst(%arg8 : memref<16x768xf32, #tpu.memory_space<vmem>>)
    %parallel_loop3A = arith.constant 0 : i32
    %parallel_loop3A_125 = arith.constant 768 : i32
    %parallel_loop3A_126 = arith.constant 1 : i32
    scf.for %parallel_loop3A_514 = %parallel_loop3A to %parallel_loop3A_125 step %parallel_loop3A_126  : i32 {
      %parallel_loop3A_515 = arith.constant 4 : i32
      %parallel_loop3A_516 = arith.shrsi %parallel_loop3A_514, %parallel_loop3A_515 : i32
      %parallel_loop3A_517 = arith.constant 4 : i32
      %parallel_loop3A_518 = arith.shli %parallel_loop3A_516, %parallel_loop3A_517 : i32
      %parallel_loop3A_519 = tpu.assume_multiple %parallel_loop3A_518, 16 : i32
      %parallel_loop3A_520 = arith.constant 15 : i32
      %parallel_loop3A_521 = arith.andi %parallel_loop3A_514, %parallel_loop3A_520 : i32
      %parallel_loop3A_522 = arith.constant 0 : i32
      %parallel_loop3A_523 = arith.addi %parallel_loop3A_522, %parallel_loop3A_521 : i32
      %parallel_loop3A_524 = arith.index_cast %parallel_loop3A_523 : i32 to index
      %parallel_loop3A_525 = arith.index_cast %parallel_loop3A_519 : i32 to index
      %parallel_loop3A_526 = tpu.vector_load %arg7[%parallel_loop3A_524, %parallel_loop3A_525] {strides = array<i32>} : memref<64x768xf32, #tpu.memory_space<vmem>>, vector<1x16xf32>,
      %parallel_loop3A_527 = vector.shape_cast %parallel_loop3A_526 : vector<1x16xf32> to vector<16xf32>
      %parallel_loop3A_528 = arith.index_cast %parallel_loop3A_521 : i32 to index
      %parallel_loop3A_529 = arith.index_cast %parallel_loop3A_519 : i32 to index
      %parallel_loop3A_530 = tpu.vector_load %arg8[%parallel_loop3A_528, %parallel_loop3A_529] {strides = array<i32>} : memref<16x768xf32, #tpu.memory_space<vmem>>, vector<1x16xf32>,
      %parallel_loop3A_531 = vector.shape_cast %parallel_loop3A_530 : vector<1x16xf32> to vector<16xf32>
      %parallel_loop3A_532 = vector.shape_cast %parallel_loop3A_527 : vector<16xf32> to vector<1x16xf32>
      tpu.vector_store %arg8[%parallel_loop3A_528, %parallel_loop3A_529], %parallel_loop3A_532 {add = true, strides = array<i32>} : memref<16x768xf32, #tpu.memory_space<vmem>>, vector<1x16xf32>,
    } {sc.loop_unroll_factor = 8 : i64, sc.parallel_access}
    %dma_start3A_127 = arith.constant 192 : i32
    %dma_start3A_128 = tpu.memref_slice %arg6[%dma_start3A_127] : memref<256xi32, #tpu.memory_space<vmem>> -> memref<16xi32, #tpu.memory_space<vmem>>
    %dma_start3A_129 = arith.constant 0 : i32
    %dma_start3A_130 = arith.constant 0 : i32
    %dma_start3A_131 = tpu.memref_slice %arg3[%dma_start3A_129, %dma_start3A_130] : memref<100000x768xf32, #tpu.memory_space<hbm>> -> memref<100000x768xf32, #tpu.memory_space<hbm>>
    tpu.enqueue_indirect_dma source(%dma_start3A_131 : memref<100000x768xf32, #tpu.memory_space<hbm>>) target(%arg11 : memref<16x768xf32, #tpu.memory_space<vmem>>) offsets(%dma_start3A_128 : memref<16xi32, #tpu.memory_space<vmem>>) semaphore(%arg15 : memref<!tpu.dma_semaphore, #tpu.memory_space<semaphore_mem>>)
    %add3A_132 = arith.constant 0 : i32
    %add3A_133 = arith.addi %add3A_132, %mul3A_2 : i32
    %add3A_134 = arith.constant 0 : i32
    %add3A_135 = arith.addi %add3A_133, %add3A_134 : i32
    %dma_start3A_136 = arith.constant 0 : i32
    %dma_start3A_137 = tpu.memref_slice %arg5[%add3A_135, %dma_start3A_136] : memref<8192x768xf32, #tpu.memory_space<hbm>> -> memref<16x768xf32, #tpu.memory_space<hbm>>
    %dma_start3A_138 = arith.constant 0 : i32
    %dma_start3A_139 = tpu.memref_slice %arg5[%add3A_135, %dma_start3A_138] : memref<8192x768xf32, #tpu.memory_space<hbm>> -> memref<16x768xf32, #tpu.memory_space<hbm>>
    tpu.enqueue_dma source(%arg8 : memref<16x768xf32, #tpu.memory_space<vmem>>) target(%dma_start3A_139 : memref<16x768xf32, #tpu.memory_space<hbm>>) target_semaphore(%arg16 : memref<!tpu.dma_semaphore, #tpu.memory_space<semaphore_mem>>)
    %dma_wait3A_140 = arith.constant 64 : i32
    %dma_wait3A_141 = tpu.memref_slice %arg6[%dma_wait3A_140] : memref<256xi32, #tpu.memory_space<vmem>> -> memref<16xi32, #tpu.memory_space<vmem>>
    %dma_wait3A_142 = arith.constant 0 : i32
    %dma_wait3A_143 = arith.constant 0 : i32
    %dma_wait3A_144 = tpu.memref_slice %arg3[%dma_wait3A_142, %dma_wait3A_143] : memref<100000x768xf32, #tpu.memory_space<hbm>> -> memref<100000x768xf32, #tpu.memory_space<hbm>>
    tpu.wait_indirect_dma semaphore(%arg13 : memref<!tpu.dma_semaphore, #tpu.memory_space<semaphore_mem>>) src(%dma_wait3A_144 : memref<100000x768xf32, #tpu.memory_space<hbm>>) dst(%arg9 : memref<16x768xf32, #tpu.memory_space<vmem>>)
    %parallel_loop3A_145 = arith.constant 0 : i32
    %parallel_loop3A_146 = arith.constant 768 : i32
    %parallel_loop3A_147 = arith.constant 1 : i32
    scf.for %parallel_loop3A_514 = %parallel_loop3A_145 to %parallel_loop3A_146 step %parallel_loop3A_147  : i32 {
      %parallel_loop3A_515 = arith.constant 4 : i32
      %parallel_loop3A_516 = arith.shrsi %parallel_loop3A_514, %parallel_loop3A_515 : i32
      %parallel_loop3A_517 = arith.constant 4 : i32
      %parallel_loop3A_518 = arith.shli %parallel_loop3A_516, %parallel_loop3A_517 : i32
      %parallel_loop3A_519 = tpu.assume_multiple %parallel_loop3A_518, 16 : i32
      %parallel_loop3A_520 = arith.constant 15 : i32
      %parallel_loop3A_521 = arith.andi %parallel_loop3A_514, %parallel_loop3A_520 : i32
      %parallel_loop3A_522 = arith.constant 0 : i32
      %parallel_loop3A_523 = arith.addi %parallel_loop3A_522, %parallel_loop3A_521 : i32
      %parallel_loop3A_524 = arith.index_cast %parallel_loop3A_523 : i32 to index
      %parallel_loop3A_525 = arith.index_cast %parallel_loop3A_519 : i32 to index
      %parallel_loop3A_526 = tpu.vector_load %arg7[%parallel_loop3A_524, %parallel_loop3A_525] {strides = array<i32>} : memref<64x768xf32, #tpu.memory_space<vmem>>, vector<1x16xf32>,
      %parallel_loop3A_527 = vector.shape_cast %parallel_loop3A_526 : vector<1x16xf32> to vector<16xf32>
      %parallel_loop3A_528 = arith.index_cast %parallel_loop3A_521 : i32 to index
      %parallel_loop3A_529 = arith.index_cast %parallel_loop3A_519 : i32 to index
      %parallel_loop3A_530 = tpu.vector_load %arg9[%parallel_loop3A_528, %parallel_loop3A_529] {strides = array<i32>} : memref<16x768xf32, #tpu.memory_space<vmem>>, vector<1x16xf32>,
      %parallel_loop3A_531 = vector.shape_cast %parallel_loop3A_530 : vector<1x16xf32> to vector<16xf32>
      %parallel_loop3A_532 = vector.shape_cast %parallel_loop3A_527 : vector<16xf32> to vector<1x16xf32>
      tpu.vector_store %arg9[%parallel_loop3A_528, %parallel_loop3A_529], %parallel_loop3A_532 {add = true, strides = array<i32>} : memref<16x768xf32, #tpu.memory_space<vmem>>, vector<1x16xf32>,
    } {sc.loop_unroll_factor = 8 : i64, sc.parallel_access}
    %dma_wait3A_148 = arith.constant 0 : i32
    %dma_wait3A_149 = tpu.memref_slice %arg5[%add3A_135, %dma_wait3A_148] : memref<8192x768xf32, #tpu.memory_space<hbm>> -> memref<16x768xf32, #tpu.memory_space<hbm>>
    %dma_wait3A_150 = arith.constant 0 : i32
    %dma_wait3A_151 = tpu.memref_slice %arg5[%add3A_135, %dma_wait3A_150] : memref<8192x768xf32, #tpu.memory_space<hbm>> -> memref<16x768xf32, #tpu.memory_space<hbm>>
    tpu.wait_dma2 semaphore(%arg16 : memref<!tpu.dma_semaphore, #tpu.memory_space<semaphore_mem>>) src(%arg8 : memref<16x768xf32, #tpu.memory_space<vmem>>) dst(%dma_wait3A_151 : memref<16x768xf32, #tpu.memory_space<hbm>>)
    %dma_start3A_152 = arith.constant 16 : i32
    %dma_start3A_153 = tpu.memref_slice %arg6[%dma_start3A_152] : memref<256xi32, #tpu.memory_space<vmem>> -> memref<16xi32, #tpu.memory_space<vmem>>
    %dma_start3A_154 = arith.constant 0 : i32
    %dma_start3A_155 = arith.constant 0 : i32
    %dma_start3A_156 = tpu.memref_slice %arg3[%dma_start3A_154, %dma_start3A_155] : memref<100000x768xf32, #tpu.memory_space<hbm>> -> memref<100000x768xf32, #tpu.memory_space<hbm>>
    tpu.enqueue_indirect_dma source(%dma_start3A_156 : memref<100000x768xf32, #tpu.memory_space<hbm>>) target(%arg8 : memref<16x768xf32, #tpu.memory_space<vmem>>) offsets(%dma_start3A_153 : memref<16xi32, #tpu.memory_space<vmem>>) semaphore(%arg12 : memref<!tpu.dma_semaphore, #tpu.memory_space<semaphore_mem>>)
    %add3A_157 = arith.constant 2048 : i32
    %add3A_158 = arith.addi %add3A_157, %mul3A_2 : i32
    %add3A_159 = arith.constant 0 : i32
    %add3A_160 = arith.addi %add3A_158, %add3A_159 : i32
    %dma_start3A_161 = arith.constant 0 : i32
    %dma_start3A_162 = tpu.memref_slice %arg5[%add3A_160, %dma_start3A_161] : memref<8192x768xf32, #tpu.memory_space<hbm>> -> memref<16x768xf32, #tpu.memory_space<hbm>>
    %dma_start3A_163 = arith.constant 0 : i32
    %dma_start3A_164 = tpu.memref_slice %arg5[%add3A_160, %dma_start3A_163] : memref<8192x768xf32, #tpu.memory_space<hbm>> -> memref<16x768xf32, #tpu.memory_space<hbm>>
    tpu.enqueue_dma source(%arg9 : memref<16x768xf32, #tpu.memory_space<vmem>>) target(%dma_start3A_164 : memref<16x768xf32, #tpu.memory_space<hbm>>) target_semaphore(%arg17 : memref<!tpu.dma_semaphore, #tpu.memory_space<semaphore_mem>>)
    %dma_wait3A_165 = arith.constant 128 : i32
    %dma_wait3A_166 = tpu.memref_slice %arg6[%dma_wait3A_165] : memref<256xi32, #tpu.memory_space<vmem>> -> memref<16xi32, #tpu.memory_space<vmem>>
    %dma_wait3A_167 = arith.constant 0 : i32
    %dma_wait3A_168 = arith.constant 0 : i32
    %dma_wait3A_169 = tpu.memref_slice %arg3[%dma_wait3A_167, %dma_wait3A_168] : memref<100000x768xf32, #tpu.memory_space<hbm>> -> memref<100000x768xf32, #tpu.memory_space<hbm>>
    tpu.wait_indirect_dma semaphore(%arg14 : memref<!tpu.dma_semaphore, #tpu.memory_space<semaphore_mem>>) src(%dma_wait3A_169 : memref<100000x768xf32, #tpu.memory_space<hbm>>) dst(%arg10 : memref<16x768xf32, #tpu.memory_space<vmem>>)
    %parallel_loop3A_170 = arith.constant 0 : i32
    %parallel_loop3A_171 = arith.constant 768 : i32
    %parallel_loop3A_172 = arith.constant 1 : i32
    scf.for %parallel_loop3A_514 = %parallel_loop3A_170 to %parallel_loop3A_171 step %parallel_loop3A_172  : i32 {
      %parallel_loop3A_515 = arith.constant 4 : i32
      %parallel_loop3A_516 = arith.shrsi %parallel_loop3A_514, %parallel_loop3A_515 : i32
      %parallel_loop3A_517 = arith.constant 4 : i32
      %parallel_loop3A_518 = arith.shli %parallel_loop3A_516, %parallel_loop3A_517 : i32
      %parallel_loop3A_519 = tpu.assume_multiple %parallel_loop3A_518, 16 : i32
      %parallel_loop3A_520 = arith.constant 15 : i32
      %parallel_loop3A_521 = arith.andi %parallel_loop3A_514, %parallel_loop3A_520 : i32
      %parallel_loop3A_522 = arith.constant 0 : i32
      %parallel_loop3A_523 = arith.addi %parallel_loop3A_522, %parallel_loop3A_521 : i32
      %parallel_loop3A_524 = arith.index_cast %parallel_loop3A_523 : i32 to index
      %parallel_loop3A_525 = arith.index_cast %parallel_loop3A_519 : i32 to index
      %parallel_loop3A_526 = tpu.vector_load %arg7[%parallel_loop3A_524, %parallel_loop3A_525] {strides = array<i32>} : memref<64x768xf32, #tpu.memory_space<vmem>>, vector<1x16xf32>,
      %parallel_loop3A_527 = vector.shape_cast %parallel_loop3A_526 : vector<1x16xf32> to vector<16xf32>
      %parallel_loop3A_528 = arith.index_cast %parallel_loop3A_521 : i32 to index
      %parallel_loop3A_529 = arith.index_cast %parallel_loop3A_519 : i32 to index
      %parallel_loop3A_530 = tpu.vector_load %arg10[%parallel_loop3A_528, %parallel_loop3A_529] {strides = array<i32>} : memref<16x768xf32, #tpu.memory_space<vmem>>, vector<1x16xf32>,
      %parallel_loop3A_531 = vector.shape_cast %parallel_loop3A_530 : vector<1x16xf32> to vector<16xf32>
      %parallel_loop3A_532 = vector.shape_cast %parallel_loop3A_527 : vector<16xf32> to vector<1x16xf32>
      tpu.vector_store %arg10[%parallel_loop3A_528, %parallel_loop3A_529], %parallel_loop3A_532 {add = true, strides = array<i32>} : memref<16x768xf32, #tpu.memory_space<vmem>>, vector<1x16xf32>,
    } {sc.loop_unroll_factor = 8 : i64, sc.parallel_access}
    %dma_wait3A_173 = arith.constant 0 : i32
    %dma_wait3A_174 = tpu.memref_slice %arg5[%add3A_160, %dma_wait3A_173] : memref<8192x768xf32, #tpu.memory_space<hbm>> -> memref<16x768xf32, #tpu.memory_space<hbm>>
    %dma_wait3A_175 = arith.constant 0 : i32
    %dma_wait3A_176 = tpu.memref_slice %arg5[%add3A_160, %dma_wait3A_175] : memref<8192x768xf32, #tpu.memory_space<hbm>> -> memref<16x768xf32, #tpu.memory_space<hbm>>
    tpu.wait_dma2 semaphore(%arg17 : memref<!tpu.dma_semaphore, #tpu.memory_space<semaphore_mem>>) src(%arg9 : memref<16x768xf32, #tpu.memory_space<vmem>>) dst(%dma_wait3A_176 : memref<16x768xf32, #tpu.memory_space<hbm>>)
    %dma_start3A_177 = arith.constant 80 : i32
    %dma_start3A_178 = tpu.memref_slice %arg6[%dma_start3A_177] : memref<256xi32, #tpu.memory_space<vmem>> -> memref<16xi32, #tpu.memory_space<vmem>>
    %dma_start3A_179 = arith.constant 0 : i32
    %dma_start3A_180 = arith.constant 0 : i32
    %dma_start3A_181 = tpu.memref_slice %arg3[%dma_start3A_179, %dma_start3A_180] : memref<100000x768xf32, #tpu.memory_space<hbm>> -> memref<100000x768xf32, #tpu.memory_space<hbm>>
    tpu.enqueue_indirect_dma source(%dma_start3A_181 : memref<100000x768xf32, #tpu.memory_space<hbm>>) target(%arg9 : memref<16x768xf32, #tpu.memory_space<vmem>>) offsets(%dma_start3A_178 : memref<16xi32, #tpu.memory_space<vmem>>) semaphore(%arg13 : memref<!tpu.dma_semaphore, #tpu.memory_space<semaphore_mem>>)
    %add3A_182 = arith.constant 4096 : i32
    %add3A_183 = arith.addi %add3A_182, %mul3A_2 : i32
    %add3A_184 = arith.constant 0 : i32
    %add3A_185 = arith.addi %add3A_183, %add3A_184 : i32
    %dma_start3A_186 = arith.constant 0 : i32
    %dma_start3A_187 = tpu.memref_slice %arg5[%add3A_185, %dma_start3A_186] : memref<8192x768xf32, #tpu.memory_space<hbm>> -> memref<16x768xf32, #tpu.memory_space<hbm>>
    %dma_start3A_188 = arith.constant 0 : i32
    %dma_start3A_189 = tpu.memref_slice %arg5[%add3A_185, %dma_start3A_188] : memref<8192x768xf32, #tpu.memory_space<hbm>> -> memref<16x768xf32, #tpu.memory_space<hbm>>
    tpu.enqueue_dma source(%arg10 : memref<16x768xf32, #tpu.memory_space<vmem>>) target(%dma_start3A_189 : memref<16x768xf32, #tpu.memory_space<hbm>>) target_semaphore(%arg18 : memref<!tpu.dma_semaphore, #tpu.memory_space<semaphore_mem>>)
    %dma_wait3A_190 = arith.constant 192 : i32
    %dma_wait3A_191 = tpu.memref_slice %arg6[%dma_wait3A_190] : memref<256xi32, #tpu.memory_space<vmem>> -> memref<16xi32, #tpu.memory_space<vmem>>
    %dma_wait3A_192 = arith.constant 0 : i32
    %dma_wait3A_193 = arith.constant 0 : i32
    %dma_wait3A_194 = tpu.memref_slice %arg3[%dma_wait3A_192, %dma_wait3A_193] : memref<100000x768xf32, #tpu.memory_space<hbm>> -> memref<100000x768xf32, #tpu.memory_space<hbm>>
    tpu.wait_indirect_dma semaphore(%arg15 : memref<!tpu.dma_semaphore, #tpu.memory_space<semaphore_mem>>) src(%dma_wait3A_194 : memref<100000x768xf32, #tpu.memory_space<hbm>>) dst(%arg11 : memref<16x768xf32, #tpu.memory_space<vmem>>)
    %parallel_loop3A_195 = arith.constant 0 : i32
    %parallel_loop3A_196 = arith.constant 768 : i32
    %parallel_loop3A_197 = arith.constant 1 : i32
    scf.for %parallel_loop3A_514 = %parallel_loop3A_195 to %parallel_loop3A_196 step %parallel_loop3A_197  : i32 {
      %parallel_loop3A_515 = arith.constant 4 : i32
      %parallel_loop3A_516 = arith.shrsi %parallel_loop3A_514, %parallel_loop3A_515 : i32
      %parallel_loop3A_517 = arith.constant 4 : i32
      %parallel_loop3A_518 = arith.shli %parallel_loop3A_516, %parallel_loop3A_517 : i32
      %parallel_loop3A_519 = tpu.assume_multiple %parallel_loop3A_518, 16 : i32
      %parallel_loop3A_520 = arith.constant 15 : i32
      %parallel_loop3A_521 = arith.andi %parallel_loop3A_514, %parallel_loop3A_520 : i32
      %parallel_loop3A_522 = arith.constant 0 : i32
      %parallel_loop3A_523 = arith.addi %parallel_loop3A_522, %parallel_loop3A_521 : i32
      %parallel_loop3A_524 = arith.index_cast %parallel_loop3A_523 : i32 to index
      %parallel_loop3A_525 = arith.index_cast %parallel_loop3A_519 : i32 to index
      %parallel_loop3A_526 = tpu.vector_load %arg7[%parallel_loop3A_524, %parallel_loop3A_525] {strides = array<i32>} : memref<64x768xf32, #tpu.memory_space<vmem>>, vector<1x16xf32>,
      %parallel_loop3A_527 = vector.shape_cast %parallel_loop3A_526 : vector<1x16xf32> to vector<16xf32>
      %parallel_loop3A_528 = arith.index_cast %parallel_loop3A_521 : i32 to index
      %parallel_loop3A_529 = arith.index_cast %parallel_loop3A_519 : i32 to index
      %parallel_loop3A_530 = tpu.vector_load %arg11[%parallel_loop3A_528, %parallel_loop3A_529] {strides = array<i32>} : memref<16x768xf32, #tpu.memory_space<vmem>>, vector<1x16xf32>,
      %parallel_loop3A_531 = vector.shape_cast %parallel_loop3A_530 : vector<1x16xf32> to vector<16xf32>
      %parallel_loop3A_532 = vector.shape_cast %parallel_loop3A_527 : vector<16xf32> to vector<1x16xf32>
      tpu.vector_store %arg11[%parallel_loop3A_528, %parallel_loop3A_529], %parallel_loop3A_532 {add = true, strides = array<i32>} : memref<16x768xf32, #tpu.memory_space<vmem>>, vector<1x16xf32>,
    } {sc.loop_unroll_factor = 8 : i64, sc.parallel_access}
    %dma_wait3A_198 = arith.constant 0 : i32
    %dma_wait3A_199 = tpu.memref_slice %arg5[%add3A_185, %dma_wait3A_198] : memref<8192x768xf32, #tpu.memory_space<hbm>> -> memref<16x768xf32, #tpu.memory_space<hbm>>
    %dma_wait3A_200 = arith.constant 0 : i32
    %dma_wait3A_201 = tpu.memref_slice %arg5[%add3A_185, %dma_wait3A_200] : memref<8192x768xf32, #tpu.memory_space<hbm>> -> memref<16x768xf32, #tpu.memory_space<hbm>>
    tpu.wait_dma2 semaphore(%arg18 : memref<!tpu.dma_semaphore, #tpu.memory_space<semaphore_mem>>) src(%arg10 : memref<16x768xf32, #tpu.memory_space<vmem>>) dst(%dma_wait3A_201 : memref<16x768xf32, #tpu.memory_space<hbm>>)
    %dma_start3A_202 = arith.constant 144 : i32
    %dma_start3A_203 = tpu.memref_slice %arg6[%dma_start3A_202] : memref<256xi32, #tpu.memory_space<vmem>> -> memref<16xi32, #tpu.memory_space<vmem>>
    %dma_start3A_204 = arith.constant 0 : i32
    %dma_start3A_205 = arith.constant 0 : i32
    %dma_start3A_206 = tpu.memref_slice %arg3[%dma_start3A_204, %dma_start3A_205] : memref<100000x768xf32, #tpu.memory_space<hbm>> -> memref<100000x768xf32, #tpu.memory_space<hbm>>
    tpu.enqueue_indirect_dma source(%dma_start3A_206 : memref<100000x768xf32, #tpu.memory_space<hbm>>) target(%arg10 : memref<16x768xf32, #tpu.memory_space<vmem>>) offsets(%dma_start3A_203 : memref<16xi32, #tpu.memory_space<vmem>>) semaphore(%arg14 : memref<!tpu.dma_semaphore, #tpu.memory_space<semaphore_mem>>)
    %add3A_207 = arith.constant 6144 : i32
    %add3A_208 = arith.addi %add3A_207, %mul3A_2 : i32
    %add3A_209 = arith.constant 0 : i32
    %add3A_210 = arith.addi %add3A_208, %add3A_209 : i32
    %dma_start3A_211 = arith.constant 0 : i32
    %dma_start3A_212 = tpu.memref_slice %arg5[%add3A_210, %dma_start3A_211] : memref<8192x768xf32, #tpu.memory_space<hbm>> -> memref<16x768xf32, #tpu.memory_space<hbm>>
    %dma_start3A_213 = arith.constant 0 : i32
    %dma_start3A_214 = tpu.memref_slice %arg5[%add3A_210, %dma_start3A_213] : memref<8192x768xf32, #tpu.memory_space<hbm>> -> memref<16x768xf32, #tpu.memory_space<hbm>>
    tpu.enqueue_dma source(%arg11 : memref<16x768xf32, #tpu.memory_space<vmem>>) target(%dma_start3A_214 : memref<16x768xf32, #tpu.memory_space<hbm>>) target_semaphore(%arg19 : memref<!tpu.dma_semaphore, #tpu.memory_space<semaphore_mem>>)
    %dma_wait3A_215 = arith.constant 16 : i32
    %dma_wait3A_216 = tpu.memref_slice %arg6[%dma_wait3A_215] : memref<256xi32, #tpu.memory_space<vmem>> -> memref<16xi32, #tpu.memory_space<vmem>>
    %dma_wait3A_217 = arith.constant 0 : i32
    %dma_wait3A_218 = arith.constant 0 : i32
    %dma_wait3A_219 = tpu.memref_slice %arg3[%dma_wait3A_217, %dma_wait3A_218] : memref<100000x768xf32, #tpu.memory_space<hbm>> -> memref<100000x768xf32, #tpu.memory_space<hbm>>
    tpu.wait_indirect_dma semaphore(%arg12 : memref<!tpu.dma_semaphore, #tpu.memory_space<semaphore_mem>>) src(%dma_wait3A_219 : memref<100000x768xf32, #tpu.memory_space<hbm>>) dst(%arg8 : memref<16x768xf32, #tpu.memory_space<vmem>>)
    %parallel_loop3A_220 = arith.constant 0 : i32
    %parallel_loop3A_221 = arith.constant 768 : i32
    %parallel_loop3A_222 = arith.constant 1 : i32
    scf.for %parallel_loop3A_514 = %parallel_loop3A_220 to %parallel_loop3A_221 step %parallel_loop3A_222  : i32 {
      %parallel_loop3A_515 = arith.constant 4 : i32
      %parallel_loop3A_516 = arith.shrsi %parallel_loop3A_514, %parallel_loop3A_515 : i32
      %parallel_loop3A_517 = arith.constant 4 : i32
      %parallel_loop3A_518 = arith.shli %parallel_loop3A_516, %parallel_loop3A_517 : i32
      %parallel_loop3A_519 = tpu.assume_multiple %parallel_loop3A_518, 16 : i32
      %parallel_loop3A_520 = arith.constant 15 : i32
      %parallel_loop3A_521 = arith.andi %parallel_loop3A_514, %parallel_loop3A_520 : i32
      %parallel_loop3A_522 = arith.constant 16 : i32
      %parallel_loop3A_523 = arith.addi %parallel_loop3A_522, %parallel_loop3A_521 : i32
      %parallel_loop3A_524 = arith.index_cast %parallel_loop3A_523 : i32 to index
      %parallel_loop3A_525 = arith.index_cast %parallel_loop3A_519 : i32 to index
      %parallel_loop3A_526 = tpu.vector_load %arg7[%parallel_loop3A_524, %parallel_loop3A_525] {strides = array<i32>} : memref<64x768xf32, #tpu.memory_space<vmem>>, vector<1x16xf32>,
      %parallel_loop3A_527 = vector.shape_cast %parallel_loop3A_526 : vector<1x16xf32> to vector<16xf32>
      %parallel_loop3A_528 = arith.index_cast %parallel_loop3A_521 : i32 to index
      %parallel_loop3A_529 = arith.index_cast %parallel_loop3A_519 : i32 to index
      %parallel_loop3A_530 = tpu.vector_load %arg8[%parallel_loop3A_528, %parallel_loop3A_529] {strides = array<i32>} : memref<16x768xf32, #tpu.memory_space<vmem>>, vector<1x16xf32>,
      %parallel_loop3A_531 = vector.shape_cast %parallel_loop3A_530 : vector<1x16xf32> to vector<16xf32>
      %parallel_loop3A_532 = vector.shape_cast %parallel_loop3A_527 : vector<16xf32> to vector<1x16xf32>
      tpu.vector_store %arg8[%parallel_loop3A_528, %parallel_loop3A_529], %parallel_loop3A_532 {add = true, strides = array<i32>} : memref<16x768xf32, #tpu.memory_space<vmem>>, vector<1x16xf32>,
    } {sc.loop_unroll_factor = 8 : i64, sc.parallel_access}
    %dma_wait3A_223 = arith.constant 0 : i32
    %dma_wait3A_224 = tpu.memref_slice %arg5[%add3A_210, %dma_wait3A_223] : memref<8192x768xf32, #tpu.memory_space<hbm>> -> memref<16x768xf32, #tpu.memory_space<hbm>>
    %dma_wait3A_225 = arith.constant 0 : i32
    %dma_wait3A_226 = tpu.memref_slice %arg5[%add3A_210, %dma_wait3A_225] : memref<8192x768xf32, #tpu.memory_space<hbm>> -> memref<16x768xf32, #tpu.memory_space<hbm>>
    tpu.wait_dma2 semaphore(%arg19 : memref<!tpu.dma_semaphore, #tpu.memory_space<semaphore_mem>>) src(%arg11 : memref<16x768xf32, #tpu.memory_space<vmem>>) dst(%dma_wait3A_226 : memref<16x768xf32, #tpu.memory_space<hbm>>)
    %dma_start3A_227 = arith.constant 208 : i32
    %dma_start3A_228 = tpu.memref_slice %arg6[%dma_start3A_227] : memref<256xi32, #tpu.memory_space<vmem>> -> memref<16xi32, #tpu.memory_space<vmem>>
    %dma_start3A_229 = arith.constant 0 : i32
    %dma_start3A_230 = arith.constant 0 : i32
    %dma_start3A_231 = tpu.memref_slice %arg3[%dma_start3A_229, %dma_start3A_230] : memref<100000x768xf32, #tpu.memory_space<hbm>> -> memref<100000x768xf32, #tpu.memory_space<hbm>>
    tpu.enqueue_indirect_dma source(%dma_start3A_231 : memref<100000x768xf32, #tpu.memory_space<hbm>>) target(%arg11 : memref<16x768xf32, #tpu.memory_space<vmem>>) offsets(%dma_start3A_228 : memref<16xi32, #tpu.memory_space<vmem>>) semaphore(%arg15 : memref<!tpu.dma_semaphore, #tpu.memory_space<semaphore_mem>>)
    %add3A_232 = arith.constant 0 : i32
    %add3A_233 = arith.addi %add3A_232, %mul3A_2 : i32
    %add3A_234 = arith.constant 16 : i32
    %add3A_235 = arith.addi %add3A_233, %add3A_234 : i32
    %dma_start3A_236 = arith.constant 0 : i32
    %dma_start3A_237 = tpu.memref_slice %arg5[%add3A_235, %dma_start3A_236] : memref<8192x768xf32, #tpu.memory_space<hbm>> -> memref<16x768xf32, #tpu.memory_space<hbm>>
    %dma_start3A_238 = arith.constant 0 : i32
    %dma_start3A_239 = tpu.memref_slice %arg5[%add3A_235, %dma_start3A_238] : memref<8192x768xf32, #tpu.memory_space<hbm>> -> memref<16x768xf32, #tpu.memory_space<hbm>>
    tpu.enqueue_dma source(%arg8 : memref<16x768xf32, #tpu.memory_space<vmem>>) target(%dma_start3A_239 : memref<16x768xf32, #tpu.memory_space<hbm>>) target_semaphore(%arg16 : memref<!tpu.dma_semaphore, #tpu.memory_space<semaphore_mem>>)
    %dma_wait3A_240 = arith.constant 80 : i32
    %dma_wait3A_241 = tpu.memref_slice %arg6[%dma_wait3A_240] : memref<256xi32, #tpu.memory_space<vmem>> -> memref<16xi32, #tpu.memory_space<vmem>>
    %dma_wait3A_242 = arith.constant 0 : i32
    %dma_wait3A_243 = arith.constant 0 : i32
    %dma_wait3A_244 = tpu.memref_slice %arg3[%dma_wait3A_242, %dma_wait3A_243] : memref<100000x768xf32, #tpu.memory_space<hbm>> -> memref<100000x768xf32, #tpu.memory_space<hbm>>
    tpu.wait_indirect_dma semaphore(%arg13 : memref<!tpu.dma_semaphore, #tpu.memory_space<semaphore_mem>>) src(%dma_wait3A_244 : memref<100000x768xf32, #tpu.memory_space<hbm>>) dst(%arg9 : memref<16x768xf32, #tpu.memory_space<vmem>>)
    %parallel_loop3A_245 = arith.constant 0 : i32
    %parallel_loop3A_246 = arith.constant 768 : i32
    %parallel_loop3A_247 = arith.constant 1 : i32
    scf.for %parallel_loop3A_514 = %parallel_loop3A_245 to %parallel_loop3A_246 step %parallel_loop3A_247  : i32 {
      %parallel_loop3A_515 = arith.constant 4 : i32
      %parallel_loop3A_516 = arith.shrsi %parallel_loop3A_514, %parallel_loop3A_515 : i32
      %parallel_loop3A_517 = arith.constant 4 : i32
      %parallel_loop3A_518 = arith.shli %parallel_loop3A_516, %parallel_loop3A_517 : i32
      %parallel_loop3A_519 = tpu.assume_multiple %parallel_loop3A_518, 16 : i32
      %parallel_loop3A_520 = arith.constant 15 : i32
      %parallel_loop3A_521 = arith.andi %parallel_loop3A_514, %parallel_loop3A_520 : i32
      %parallel_loop3A_522 = arith.constant 16 : i32
      %parallel_loop3A_523 = arith.addi %parallel_loop3A_522, %parallel_loop3A_521 : i32
      %parallel_loop3A_524 = arith.index_cast %parallel_loop3A_523 : i32 to index
      %parallel_loop3A_525 = arith.index_cast %parallel_loop3A_519 : i32 to index
      %parallel_loop3A_526 = tpu.vector_load %arg7[%parallel_loop3A_524, %parallel_loop3A_525] {strides = array<i32>} : memref<64x768xf32, #tpu.memory_space<vmem>>, vector<1x16xf32>,
      %parallel_loop3A_527 = vector.shape_cast %parallel_loop3A_526 : vector<1x16xf32> to vector<16xf32>
      %parallel_loop3A_528 = arith.index_cast %parallel_loop3A_521 : i32 to index
      %parallel_loop3A_529 = arith.index_cast %parallel_loop3A_519 : i32 to index
      %parallel_loop3A_530 = tpu.vector_load %arg9[%parallel_loop3A_528, %parallel_loop3A_529] {strides = array<i32>} : memref<16x768xf32, #tpu.memory_space<vmem>>, vector<1x16xf32>,
      %parallel_loop3A_531 = vector.shape_cast %parallel_loop3A_530 : vector<1x16xf32> to vector<16xf32>
      %parallel_loop3A_532 = vector.shape_cast %parallel_loop3A_527 : vector<16xf32> to vector<1x16xf32>
      tpu.vector_store %arg9[%parallel_loop3A_528, %parallel_loop3A_529], %parallel_loop3A_532 {add = true, strides = array<i32>} : memref<16x768xf32, #tpu.memory_space<vmem>>, vector<1x16xf32>,
    } {sc.loop_unroll_factor = 8 : i64, sc.parallel_access}
    %dma_wait3A_248 = arith.constant 0 : i32
    %dma_wait3A_249 = tpu.memref_slice %arg5[%add3A_235, %dma_wait3A_248] : memref<8192x768xf32, #tpu.memory_space<hbm>> -> memref<16x768xf32, #tpu.memory_space<hbm>>
    %dma_wait3A_250 = arith.constant 0 : i32
    %dma_wait3A_251 = tpu.memref_slice %arg5[%add3A_235, %dma_wait3A_250] : memref<8192x768xf32, #tpu.memory_space<hbm>> -> memref<16x768xf32, #tpu.memory_space<hbm>>
    tpu.wait_dma2 semaphore(%arg16 : memref<!tpu.dma_semaphore, #tpu.memory_space<semaphore_mem>>) src(%arg8 : memref<16x768xf32, #tpu.memory_space<vmem>>) dst(%dma_wait3A_251 : memref<16x768xf32, #tpu.memory_space<hbm>>)
    %dma_start3A_252 = arith.constant 32 : i32
    %dma_start3A_253 = tpu.memref_slice %arg6[%dma_start3A_252] : memref<256xi32, #tpu.memory_space<vmem>> -> memref<16xi32, #tpu.memory_space<vmem>>
    %dma_start3A_254 = arith.constant 0 : i32
    %dma_start3A_255 = arith.constant 0 : i32
    %dma_start3A_256 = tpu.memref_slice %arg3[%dma_start3A_254, %dma_start3A_255] : memref<100000x768xf32, #tpu.memory_space<hbm>> -> memref<100000x768xf32, #tpu.memory_space<hbm>>
    tpu.enqueue_indirect_dma source(%dma_start3A_256 : memref<100000x768xf32, #tpu.memory_space<hbm>>) target(%arg8 : memref<16x768xf32, #tpu.memory_space<vmem>>) offsets(%dma_start3A_253 : memref<16xi32, #tpu.memory_space<vmem>>) semaphore(%arg12 : memref<!tpu.dma_semaphore, #tpu.memory_space<semaphore_mem>>)
    %add3A_257 = arith.constant 2048 : i32
    %add3A_258 = arith.addi %add3A_257, %mul3A_2 : i32
    %add3A_259 = arith.constant 16 : i32
    %add3A_260 = arith.addi %add3A_258, %add3A_259 : i32
    %dma_start3A_261 = arith.constant 0 : i32
    %dma_start3A_262 = tpu.memref_slice %arg5[%add3A_260, %dma_start3A_261] : memref<8192x768xf32, #tpu.memory_space<hbm>> -> memref<16x768xf32, #tpu.memory_space<hbm>>
    %dma_start3A_263 = arith.constant 0 : i32
    %dma_start3A_264 = tpu.memref_slice %arg5[%add3A_260, %dma_start3A_263] : memref<8192x768xf32, #tpu.memory_space<hbm>> -> memref<16x768xf32, #tpu.memory_space<hbm>>
    tpu.enqueue_dma source(%arg9 : memref<16x768xf32, #tpu.memory_space<vmem>>) target(%dma_start3A_264 : memref<16x768xf32, #tpu.memory_space<hbm>>) target_semaphore(%arg17 : memref<!tpu.dma_semaphore, #tpu.memory_space<semaphore_mem>>)
    %dma_wait3A_265 = arith.constant 144 : i32
    %dma_wait3A_266 = tpu.memref_slice %arg6[%dma_wait3A_265] : memref<256xi32, #tpu.memory_space<vmem>> -> memref<16xi32, #tpu.memory_space<vmem>>
    %dma_wait3A_267 = arith.constant 0 : i32
    %dma_wait3A_268 = arith.constant 0 : i32
    %dma_wait3A_269 = tpu.memref_slice %arg3[%dma_wait3A_267, %dma_wait3A_268] : memref<100000x768xf32, #tpu.memory_space<hbm>> -> memref<100000x768xf32, #tpu.memory_space<hbm>>
    tpu.wait_indirect_dma semaphore(%arg14 : memref<!tpu.dma_semaphore, #tpu.memory_space<semaphore_mem>>) src(%dma_wait3A_269 : memref<100000x768xf32, #tpu.memory_space<hbm>>) dst(%arg10 : memref<16x768xf32, #tpu.memory_space<vmem>>)
    %parallel_loop3A_270 = arith.constant 0 : i32
    %parallel_loop3A_271 = arith.constant 768 : i32
    %parallel_loop3A_272 = arith.constant 1 : i32
    scf.for %parallel_loop3A_514 = %parallel_loop3A_270 to %parallel_loop3A_271 step %parallel_loop3A_272  : i32 {
      %parallel_loop3A_515 = arith.constant 4 : i32
      %parallel_loop3A_516 = arith.shrsi %parallel_loop3A_514, %parallel_loop3A_515 : i32
      %parallel_loop3A_517 = arith.constant 4 : i32
      %parallel_loop3A_518 = arith.shli %parallel_loop3A_516, %parallel_loop3A_517 : i32
      %parallel_loop3A_519 = tpu.assume_multiple %parallel_loop3A_518, 16 : i32
      %parallel_loop3A_520 = arith.constant 15 : i32
      %parallel_loop3A_521 = arith.andi %parallel_loop3A_514, %parallel_loop3A_520 : i32
      %parallel_loop3A_522 = arith.constant 16 : i32
      %parallel_loop3A_523 = arith.addi %parallel_loop3A_522, %parallel_loop3A_521 : i32
      %parallel_loop3A_524 = arith.index_cast %parallel_loop3A_523 : i32 to index
      %parallel_loop3A_525 = arith.index_cast %parallel_loop3A_519 : i32 to index
      %parallel_loop3A_526 = tpu.vector_load %arg7[%parallel_loop3A_524, %parallel_loop3A_525] {strides = array<i32>} : memref<64x768xf32, #tpu.memory_space<vmem>>, vector<1x16xf32>,
      %parallel_loop3A_527 = vector.shape_cast %parallel_loop3A_526 : vector<1x16xf32> to vector<16xf32>
      %parallel_loop3A_528 = arith.index_cast %parallel_loop3A_521 : i32 to index
      %parallel_loop3A_529 = arith.index_cast %parallel_loop3A_519 : i32 to index
      %parallel_loop3A_530 = tpu.vector_load %arg10[%parallel_loop3A_528, %parallel_loop3A_529] {strides = array<i32>} : memref<16x768xf32, #tpu.memory_space<vmem>>, vector<1x16xf32>,
      %parallel_loop3A_531 = vector.shape_cast %parallel_loop3A_530 : vector<1x16xf32> to vector<16xf32>
      %parallel_loop3A_532 = vector.shape_cast %parallel_loop3A_527 : vector<16xf32> to vector<1x16xf32>
      tpu.vector_store %arg10[%parallel_loop3A_528, %parallel_loop3A_529], %parallel_loop3A_532 {add = true, strides = array<i32>} : memref<16x768xf32, #tpu.memory_space<vmem>>, vector<1x16xf32>,
    } {sc.loop_unroll_factor = 8 : i64, sc.parallel_access}
    %dma_wait3A_273 = arith.constant 0 : i32
    %dma_wait3A_274 = tpu.memref_slice %arg5[%add3A_260, %dma_wait3A_273] : memref<8192x768xf32, #tpu.memory_space<hbm>> -> memref<16x768xf32, #tpu.memory_space<hbm>>
    %dma_wait3A_275 = arith.constant 0 : i32
    %dma_wait3A_276 = tpu.memref_slice %arg5[%add3A_260, %dma_wait3A_275] : memref<8192x768xf32, #tpu.memory_space<hbm>> -> memref<16x768xf32, #tpu.memory_space<hbm>>
    tpu.wait_dma2 semaphore(%arg17 : memref<!tpu.dma_semaphore, #tpu.memory_space<semaphore_mem>>) src(%arg9 : memref<16x768xf32, #tpu.memory_space<vmem>>) dst(%dma_wait3A_276 : memref<16x768xf32, #tpu.memory_space<hbm>>)
    %dma_start3A_277 = arith.constant 96 : i32
    %dma_start3A_278 = tpu.memref_slice %arg6[%dma_start3A_277] : memref<256xi32, #tpu.memory_space<vmem>> -> memref<16xi32, #tpu.memory_space<vmem>>
    %dma_start3A_279 = arith.constant 0 : i32
    %dma_start3A_280 = arith.constant 0 : i32
    %dma_start3A_281 = tpu.memref_slice %arg3[%dma_start3A_279, %dma_start3A_280] : memref<100000x768xf32, #tpu.memory_space<hbm>> -> memref<100000x768xf32, #tpu.memory_space<hbm>>
    tpu.enqueue_indirect_dma source(%dma_start3A_281 : memref<100000x768xf32, #tpu.memory_space<hbm>>) target(%arg9 : memref<16x768xf32, #tpu.memory_space<vmem>>) offsets(%dma_start3A_278 : memref<16xi32, #tpu.memory_space<vmem>>) semaphore(%arg13 : memref<!tpu.dma_semaphore, #tpu.memory_space<semaphore_mem>>)
    %add3A_282 = arith.constant 4096 : i32
    %add3A_283 = arith.addi %add3A_282, %mul3A_2 : i32
    %add3A_284 = arith.constant 16 : i32
    %add3A_285 = arith.addi %add3A_283, %add3A_284 : i32
    %dma_start3A_286 = arith.constant 0 : i32
    %dma_start3A_287 = tpu.memref_slice %arg5[%add3A_285, %dma_start3A_286] : memref<8192x768xf32, #tpu.memory_space<hbm>> -> memref<16x768xf32, #tpu.memory_space<hbm>>
    %dma_start3A_288 = arith.constant 0 : i32
    %dma_start3A_289 = tpu.memref_slice %arg5[%add3A_285, %dma_start3A_288] : memref<8192x768xf32, #tpu.memory_space<hbm>> -> memref<16x768xf32, #tpu.memory_space<hbm>>
    tpu.enqueue_dma source(%arg10 : memref<16x768xf32, #tpu.memory_space<vmem>>) target(%dma_start3A_289 : memref<16x768xf32, #tpu.memory_space<hbm>>) target_semaphore(%arg18 : memref<!tpu.dma_semaphore, #tpu.memory_space<semaphore_mem>>)
    %dma_wait3A_290 = arith.constant 208 : i32
    %dma_wait3A_291 = tpu.memref_slice %arg6[%dma_wait3A_290] : memref<256xi32, #tpu.memory_space<vmem>> -> memref<16xi32, #tpu.memory_space<vmem>>
    %dma_wait3A_292 = arith.constant 0 : i32
    %dma_wait3A_293 = arith.constant 0 : i32
    %dma_wait3A_294 = tpu.memref_slice %arg3[%dma_wait3A_292, %dma_wait3A_293] : memref<100000x768xf32, #tpu.memory_space<hbm>> -> memref<100000x768xf32, #tpu.memory_space<hbm>>
    tpu.wait_indirect_dma semaphore(%arg15 : memref<!tpu.dma_semaphore, #tpu.memory_space<semaphore_mem>>) src(%dma_wait3A_294 : memref<100000x768xf32, #tpu.memory_space<hbm>>) dst(%arg11 : memref<16x768xf32, #tpu.memory_space<vmem>>)
    %parallel_loop3A_295 = arith.constant 0 : i32
    %parallel_loop3A_296 = arith.constant 768 : i32
    %parallel_loop3A_297 = arith.constant 1 : i32
    scf.for %parallel_loop3A_514 = %parallel_loop3A_295 to %parallel_loop3A_296 step %parallel_loop3A_297  : i32 {
      %parallel_loop3A_515 = arith.constant 4 : i32
      %parallel_loop3A_516 = arith.shrsi %parallel_loop3A_514, %parallel_loop3A_515 : i32
      %parallel_loop3A_517 = arith.constant 4 : i32
      %parallel_loop3A_518 = arith.shli %parallel_loop3A_516, %parallel_loop3A_517 : i32
      %parallel_loop3A_519 = tpu.assume_multiple %parallel_loop3A_518, 16 : i32
      %parallel_loop3A_520 = arith.constant 15 : i32
      %parallel_loop3A_521 = arith.andi %parallel_loop3A_514, %parallel_loop3A_520 : i32
      %parallel_loop3A_522 = arith.constant 16 : i32
      %parallel_loop3A_523 = arith.addi %parallel_loop3A_522, %parallel_loop3A_521 : i32
      %parallel_loop3A_524 = arith.index_cast %parallel_loop3A_523 : i32 to index
      %parallel_loop3A_525 = arith.index_cast %parallel_loop3A_519 : i32 to index
      %parallel_loop3A_526 = tpu.vector_load %arg7[%parallel_loop3A_524, %parallel_loop3A_525] {strides = array<i32>} : memref<64x768xf32, #tpu.memory_space<vmem>>, vector<1x16xf32>,
      %parallel_loop3A_527 = vector.shape_cast %parallel_loop3A_526 : vector<1x16xf32> to vector<16xf32>
      %parallel_loop3A_528 = arith.index_cast %parallel_loop3A_521 : i32 to index
      %parallel_loop3A_529 = arith.index_cast %parallel_loop3A_519 : i32 to index
      %parallel_loop3A_530 = tpu.vector_load %arg11[%parallel_loop3A_528, %parallel_loop3A_529] {strides = array<i32>} : memref<16x768xf32, #tpu.memory_space<vmem>>, vector<1x16xf32>,
      %parallel_loop3A_531 = vector.shape_cast %parallel_loop3A_530 : vector<1x16xf32> to vector<16xf32>
      %parallel_loop3A_532 = vector.shape_cast %parallel_loop3A_527 : vector<16xf32> to vector<1x16xf32>
      tpu.vector_store %arg11[%parallel_loop3A_528, %parallel_loop3A_529], %parallel_loop3A_532 {add = true, strides = array<i32>} : memref<16x768xf32, #tpu.memory_space<vmem>>, vector<1x16xf32>,
    } {sc.loop_unroll_factor = 8 : i64, sc.parallel_access}
    %dma_wait3A_298 = arith.constant 0 : i32
    %dma_wait3A_299 = tpu.memref_slice %arg5[%add3A_285, %dma_wait3A_298] : memref<8192x768xf32, #tpu.memory_space<hbm>> -> memref<16x768xf32, #tpu.memory_space<hbm>>
    %dma_wait3A_300 = arith.constant 0 : i32
    %dma_wait3A_301 = tpu.memref_slice %arg5[%add3A_285, %dma_wait3A_300] : memref<8192x768xf32, #tpu.memory_space<hbm>> -> memref<16x768xf32, #tpu.memory_space<hbm>>
    tpu.wait_dma2 semaphore(%arg18 : memref<!tpu.dma_semaphore, #tpu.memory_space<semaphore_mem>>) src(%arg10 : memref<16x768xf32, #tpu.memory_space<vmem>>) dst(%dma_wait3A_301 : memref<16x768xf32, #tpu.memory_space<hbm>>)
    %dma_start3A_302 = arith.constant 160 : i32
    %dma_start3A_303 = tpu.memref_slice %arg6[%dma_start3A_302] : memref<256xi32, #tpu.memory_space<vmem>> -> memref<16xi32, #tpu.memory_space<vmem>>
    %dma_start3A_304 = arith.constant 0 : i32
    %dma_start3A_305 = arith.constant 0 : i32
    %dma_start3A_306 = tpu.memref_slice %arg3[%dma_start3A_304, %dma_start3A_305] : memref<100000x768xf32, #tpu.memory_space<hbm>> -> memref<100000x768xf32, #tpu.memory_space<hbm>>
    tpu.enqueue_indirect_dma source(%dma_start3A_306 : memref<100000x768xf32, #tpu.memory_space<hbm>>) target(%arg10 : memref<16x768xf32, #tpu.memory_space<vmem>>) offsets(%dma_start3A_303 : memref<16xi32, #tpu.memory_space<vmem>>) semaphore(%arg14 : memref<!tpu.dma_semaphore, #tpu.memory_space<semaphore_mem>>)
    %add3A_307 = arith.constant 6144 : i32
    %add3A_308 = arith.addi %add3A_307, %mul3A_2 : i32
    %add3A_309 = arith.constant 16 : i32
    %add3A_310 = arith.addi %add3A_308, %add3A_309 : i32
    %dma_start3A_311 = arith.constant 0 : i32
    %dma_start3A_312 = tpu.memref_slice %arg5[%add3A_310, %dma_start3A_311] : memref<8192x768xf32, #tpu.memory_space<hbm>> -> memref<16x768xf32, #tpu.memory_space<hbm>>
    %dma_start3A_313 = arith.constant 0 : i32
    %dma_start3A_314 = tpu.memref_slice %arg5[%add3A_310, %dma_start3A_313] : memref<8192x768xf32, #tpu.memory_space<hbm>> -> memref<16x768xf32, #tpu.memory_space<hbm>>
    tpu.enqueue_dma source(%arg11 : memref<16x768xf32, #tpu.memory_space<vmem>>) target(%dma_start3A_314 : memref<16x768xf32, #tpu.memory_space<hbm>>) target_semaphore(%arg19 : memref<!tpu.dma_semaphore, #tpu.memory_space<semaphore_mem>>)
    %dma_wait3A_315 = arith.constant 32 : i32
    %dma_wait3A_316 = arith.constant 0 : i32
    %dma_wait3A_317 = tpu.memref_slice %arg7[%dma_wait3A_315, %dma_wait3A_316] : memref<64x768xf32, #tpu.memory_space<vmem>> -> memref<32x768xf32, #tpu.memory_space<vmem>>
    %dma_wait3A_318 = arith.constant 0 : i32
    %dma_wait3A_319 = tpu.memref_slice %arg4[%add3A_49, %dma_wait3A_318] : memref<2048x768xf32, #tpu.memory_space<hbm>> -> memref<32x768xf32, #tpu.memory_space<hbm>>
    %dma_wait3A_320 = arith.constant 32 : i32
    %dma_wait3A_321 = arith.constant 0 : i32
    %dma_wait3A_322 = tpu.memref_slice %arg7[%dma_wait3A_320, %dma_wait3A_321] : memref<64x768xf32, #tpu.memory_space<vmem>> -> memref<32x768xf32, #tpu.memory_space<vmem>>
    %dma_wait3A_323 = arith.constant 0 : i32
    %dma_wait3A_324 = tpu.memref_slice %arg4[%add3A_49, %dma_wait3A_323] : memref<2048x768xf32, #tpu.memory_space<hbm>> -> memref<32x768xf32, #tpu.memory_space<hbm>>
    tpu.wait_dma2 semaphore(%arg21 : memref<!tpu.dma_semaphore, #tpu.memory_space<semaphore_mem>>) src(%dma_wait3A_324 : memref<32x768xf32, #tpu.memory_space<hbm>>) dst(%dma_wait3A_322 : memref<32x768xf32, #tpu.memory_space<vmem>>)
    %dma_wait3A_325 = arith.constant 32 : i32
    %dma_wait3A_326 = tpu.memref_slice %arg6[%dma_wait3A_325] : memref<256xi32, #tpu.memory_space<vmem>> -> memref<16xi32, #tpu.memory_space<vmem>>
    %dma_wait3A_327 = arith.constant 0 : i32
    %dma_wait3A_328 = arith.constant 0 : i32
    %dma_wait3A_329 = tpu.memref_slice %arg3[%dma_wait3A_327, %dma_wait3A_328] : memref<100000x768xf32, #tpu.memory_space<hbm>> -> memref<100000x768xf32, #tpu.memory_space<hbm>>
    tpu.wait_indirect_dma semaphore(%arg12 : memref<!tpu.dma_semaphore, #tpu.memory_space<semaphore_mem>>) src(%dma_wait3A_329 : memref<100000x768xf32, #tpu.memory_space<hbm>>) dst(%arg8 : memref<16x768xf32, #tpu.memory_space<vmem>>)
    %parallel_loop3A_330 = arith.constant 0 : i32
    %parallel_loop3A_331 = arith.constant 768 : i32
    %parallel_loop3A_332 = arith.constant 1 : i32
    scf.for %parallel_loop3A_514 = %parallel_loop3A_330 to %parallel_loop3A_331 step %parallel_loop3A_332  : i32 {
      %parallel_loop3A_515 = arith.constant 4 : i32
      %parallel_loop3A_516 = arith.shrsi %parallel_loop3A_514, %parallel_loop3A_515 : i32
      %parallel_loop3A_517 = arith.constant 4 : i32
      %parallel_loop3A_518 = arith.shli %parallel_loop3A_516, %parallel_loop3A_517 : i32
      %parallel_loop3A_519 = tpu.assume_multiple %parallel_loop3A_518, 16 : i32
      %parallel_loop3A_520 = arith.constant 15 : i32
      %parallel_loop3A_521 = arith.andi %parallel_loop3A_514, %parallel_loop3A_520 : i32
      %parallel_loop3A_522 = arith.constant 32 : i32
      %parallel_loop3A_523 = arith.addi %parallel_loop3A_522, %parallel_loop3A_521 : i32
      %parallel_loop3A_524 = arith.index_cast %parallel_loop3A_523 : i32 to index
      %parallel_loop3A_525 = arith.index_cast %parallel_loop3A_519 : i32 to index
      %parallel_loop3A_526 = tpu.vector_load %arg7[%parallel_loop3A_524, %parallel_loop3A_525] {strides = array<i32>} : memref<64x768xf32, #tpu.memory_space<vmem>>, vector<1x16xf32>,
      %parallel_loop3A_527 = vector.shape_cast %parallel_loop3A_526 : vector<1x16xf32> to vector<16xf32>
      %parallel_loop3A_528 = arith.index_cast %parallel_loop3A_521 : i32 to index
      %parallel_loop3A_529 = arith.index_cast %parallel_loop3A_519 : i32 to index
      %parallel_loop3A_530 = tpu.vector_load %arg8[%parallel_loop3A_528, %parallel_loop3A_529] {strides = array<i32>} : memref<16x768xf32, #tpu.memory_space<vmem>>, vector<1x16xf32>,
      %parallel_loop3A_531 = vector.shape_cast %parallel_loop3A_530 : vector<1x16xf32> to vector<16xf32>
      %parallel_loop3A_532 = vector.shape_cast %parallel_loop3A_527 : vector<16xf32> to vector<1x16xf32>
      tpu.vector_store %arg8[%parallel_loop3A_528, %parallel_loop3A_529], %parallel_loop3A_532 {add = true, strides = array<i32>} : memref<16x768xf32, #tpu.memory_space<vmem>>, vector<1x16xf32>,
    } {sc.loop_unroll_factor = 8 : i64, sc.parallel_access}
    %dma_wait3A_333 = arith.constant 0 : i32
    %dma_wait3A_334 = tpu.memref_slice %arg5[%add3A_310, %dma_wait3A_333] : memref<8192x768xf32, #tpu.memory_space<hbm>> -> memref<16x768xf32, #tpu.memory_space<hbm>>
    %dma_wait3A_335 = arith.constant 0 : i32
    %dma_wait3A_336 = tpu.memref_slice %arg5[%add3A_310, %dma_wait3A_335] : memref<8192x768xf32, #tpu.memory_space<hbm>> -> memref<16x768xf32, #tpu.memory_space<hbm>>
    tpu.wait_dma2 semaphore(%arg19 : memref<!tpu.dma_semaphore, #tpu.memory_space<semaphore_mem>>) src(%arg11 : memref<16x768xf32, #tpu.memory_space<vmem>>) dst(%dma_wait3A_336 : memref<16x768xf32, #tpu.memory_space<hbm>>)
    %dma_start3A_337 = arith.constant 224 : i32
    %dma_start3A_338 = tpu.memref_slice %arg6[%dma_start3A_337] : memref<256xi32, #tpu.memory_space<vmem>> -> memref<16xi32, #tpu.memory_space<vmem>>
    %dma_start3A_339 = arith.constant 0 : i32
    %dma_start3A_340 = arith.constant 0 : i32
    %dma_start3A_341 = tpu.memref_slice %arg3[%dma_start3A_339, %dma_start3A_340] : memref<100000x768xf32, #tpu.memory_space<hbm>> -> memref<100000x768xf32, #tpu.memory_space<hbm>>
    tpu.enqueue_indirect_dma source(%dma_start3A_341 : memref<100000x768xf32, #tpu.memory_space<hbm>>) target(%arg11 : memref<16x768xf32, #tpu.memory_space<vmem>>) offsets(%dma_start3A_338 : memref<16xi32, #tpu.memory_space<vmem>>) semaphore(%arg15 : memref<!tpu.dma_semaphore, #tpu.memory_space<semaphore_mem>>)
    %add3A_342 = arith.constant 0 : i32
    %add3A_343 = arith.addi %add3A_342, %mul3A_2 : i32
    %add3A_344 = arith.constant 32 : i32
    %add3A_345 = arith.addi %add3A_343, %add3A_344 : i32
    %dma_start3A_346 = arith.constant 0 : i32
    %dma_start3A_347 = tpu.memref_slice %arg5[%add3A_345, %dma_start3A_346] : memref<8192x768xf32, #tpu.memory_space<hbm>> -> memref<16x768xf32, #tpu.memory_space<hbm>>
    %dma_start3A_348 = arith.constant 0 : i32
    %dma_start3A_349 = tpu.memref_slice %arg5[%add3A_345, %dma_start3A_348] : memref<8192x768xf32, #tpu.memory_space<hbm>> -> memref<16x768xf32, #tpu.memory_space<hbm>>
    tpu.enqueue_dma source(%arg8 : memref<16x768xf32, #tpu.memory_space<vmem>>) target(%dma_start3A_349 : memref<16x768xf32, #tpu.memory_space<hbm>>) target_semaphore(%arg16 : memref<!tpu.dma_semaphore, #tpu.memory_space<semaphore_mem>>)
    %dma_wait3A_350 = arith.constant 96 : i32
    %dma_wait3A_351 = tpu.memref_slice %arg6[%dma_wait3A_350] : memref<256xi32, #tpu.memory_space<vmem>> -> memref<16xi32, #tpu.memory_space<vmem>>
    %dma_wait3A_352 = arith.constant 0 : i32
    %dma_wait3A_353 = arith.constant 0 : i32
    %dma_wait3A_354 = tpu.memref_slice %arg3[%dma_wait3A_352, %dma_wait3A_353] : memref<100000x768xf32, #tpu.memory_space<hbm>> -> memref<100000x768xf32, #tpu.memory_space<hbm>>
    tpu.wait_indirect_dma semaphore(%arg13 : memref<!tpu.dma_semaphore, #tpu.memory_space<semaphore_mem>>) src(%dma_wait3A_354 : memref<100000x768xf32, #tpu.memory_space<hbm>>) dst(%arg9 : memref<16x768xf32, #tpu.memory_space<vmem>>)
    %parallel_loop3A_355 = arith.constant 0 : i32
    %parallel_loop3A_356 = arith.constant 768 : i32
    %parallel_loop3A_357 = arith.constant 1 : i32
    scf.for %parallel_loop3A_514 = %parallel_loop3A_355 to %parallel_loop3A_356 step %parallel_loop3A_357  : i32 {
      %parallel_loop3A_515 = arith.constant 4 : i32
      %parallel_loop3A_516 = arith.shrsi %parallel_loop3A_514, %parallel_loop3A_515 : i32
      %parallel_loop3A_517 = arith.constant 4 : i32
      %parallel_loop3A_518 = arith.shli %parallel_loop3A_516, %parallel_loop3A_517 : i32
      %parallel_loop3A_519 = tpu.assume_multiple %parallel_loop3A_518, 16 : i32
      %parallel_loop3A_520 = arith.constant 15 : i32
      %parallel_loop3A_521 = arith.andi %parallel_loop3A_514, %parallel_loop3A_520 : i32
      %parallel_loop3A_522 = arith.constant 32 : i32
      %parallel_loop3A_523 = arith.addi %parallel_loop3A_522, %parallel_loop3A_521 : i32
      %parallel_loop3A_524 = arith.index_cast %parallel_loop3A_523 : i32 to index
      %parallel_loop3A_525 = arith.index_cast %parallel_loop3A_519 : i32 to index
      %parallel_loop3A_526 = tpu.vector_load %arg7[%parallel_loop3A_524, %parallel_loop3A_525] {strides = array<i32>} : memref<64x768xf32, #tpu.memory_space<vmem>>, vector<1x16xf32>,
      %parallel_loop3A_527 = vector.shape_cast %parallel_loop3A_526 : vector<1x16xf32> to vector<16xf32>
      %parallel_loop3A_528 = arith.index_cast %parallel_loop3A_521 : i32 to index
      %parallel_loop3A_529 = arith.index_cast %parallel_loop3A_519 : i32 to index
      %parallel_loop3A_530 = tpu.vector_load %arg9[%parallel_loop3A_528, %parallel_loop3A_529] {strides = array<i32>} : memref<16x768xf32, #tpu.memory_space<vmem>>, vector<1x16xf32>,
      %parallel_loop3A_531 = vector.shape_cast %parallel_loop3A_530 : vector<1x16xf32> to vector<16xf32>
      %parallel_loop3A_532 = vector.shape_cast %parallel_loop3A_527 : vector<16xf32> to vector<1x16xf32>
      tpu.vector_store %arg9[%parallel_loop3A_528, %parallel_loop3A_529], %parallel_loop3A_532 {add = true, strides = array<i32>} : memref<16x768xf32, #tpu.memory_space<vmem>>, vector<1x16xf32>,
    } {sc.loop_unroll_factor = 8 : i64, sc.parallel_access}
    %dma_wait3A_358 = arith.constant 0 : i32
    %dma_wait3A_359 = tpu.memref_slice %arg5[%add3A_345, %dma_wait3A_358] : memref<8192x768xf32, #tpu.memory_space<hbm>> -> memref<16x768xf32, #tpu.memory_space<hbm>>
    %dma_wait3A_360 = arith.constant 0 : i32
    %dma_wait3A_361 = tpu.memref_slice %arg5[%add3A_345, %dma_wait3A_360] : memref<8192x768xf32, #tpu.memory_space<hbm>> -> memref<16x768xf32, #tpu.memory_space<hbm>>
    tpu.wait_dma2 semaphore(%arg16 : memref<!tpu.dma_semaphore, #tpu.memory_space<semaphore_mem>>) src(%arg8 : memref<16x768xf32, #tpu.memory_space<vmem>>) dst(%dma_wait3A_361 : memref<16x768xf32, #tpu.memory_space<hbm>>)
    %dma_start3A_362 = arith.constant 48 : i32
    %dma_start3A_363 = tpu.memref_slice %arg6[%dma_start3A_362] : memref<256xi32, #tpu.memory_space<vmem>> -> memref<16xi32, #tpu.memory_space<vmem>>
    %dma_start3A_364 = arith.constant 0 : i32
    %dma_start3A_365 = arith.constant 0 : i32
    %dma_start3A_366 = tpu.memref_slice %arg3[%dma_start3A_364, %dma_start3A_365] : memref<100000x768xf32, #tpu.memory_space<hbm>> -> memref<100000x768xf32, #tpu.memory_space<hbm>>
    tpu.enqueue_indirect_dma source(%dma_start3A_366 : memref<100000x768xf32, #tpu.memory_space<hbm>>) target(%arg8 : memref<16x768xf32, #tpu.memory_space<vmem>>) offsets(%dma_start3A_363 : memref<16xi32, #tpu.memory_space<vmem>>) semaphore(%arg12 : memref<!tpu.dma_semaphore, #tpu.memory_space<semaphore_mem>>)
    %add3A_367 = arith.constant 2048 : i32
    %add3A_368 = arith.addi %add3A_367, %mul3A_2 : i32
    %add3A_369 = arith.constant 32 : i32
    %add3A_370 = arith.addi %add3A_368, %add3A_369 : i32
    %dma_start3A_371 = arith.constant 0 : i32
    %dma_start3A_372 = tpu.memref_slice %arg5[%add3A_370, %dma_start3A_371] : memref<8192x768xf32, #tpu.memory_space<hbm>> -> memref<16x768xf32, #tpu.memory_space<hbm>>
    %dma_start3A_373 = arith.constant 0 : i32
    %dma_start3A_374 = tpu.memref_slice %arg5[%add3A_370, %dma_start3A_373] : memref<8192x768xf32, #tpu.memory_space<hbm>> -> memref<16x768xf32, #tpu.memory_space<hbm>>
    tpu.enqueue_dma source(%arg9 : memref<16x768xf32, #tpu.memory_space<vmem>>) target(%dma_start3A_374 : memref<16x768xf32, #tpu.memory_space<hbm>>) target_semaphore(%arg17 : memref<!tpu.dma_semaphore, #tpu.memory_space<semaphore_mem>>)
    %dma_wait3A_375 = arith.constant 160 : i32
    %dma_wait3A_376 = tpu.memref_slice %arg6[%dma_wait3A_375] : memref<256xi32, #tpu.memory_space<vmem>> -> memref<16xi32, #tpu.memory_space<vmem>>
    %dma_wait3A_377 = arith.constant 0 : i32
    %dma_wait3A_378 = arith.constant 0 : i32
    %dma_wait3A_379 = tpu.memref_slice %arg3[%dma_wait3A_377, %dma_wait3A_378] : memref<100000x768xf32, #tpu.memory_space<hbm>> -> memref<100000x768xf32, #tpu.memory_space<hbm>>
    tpu.wait_indirect_dma semaphore(%arg14 : memref<!tpu.dma_semaphore, #tpu.memory_space<semaphore_mem>>) src(%dma_wait3A_379 : memref<100000x768xf32, #tpu.memory_space<hbm>>) dst(%arg10 : memref<16x768xf32, #tpu.memory_space<vmem>>)
    %parallel_loop3A_380 = arith.constant 0 : i32
    %parallel_loop3A_381 = arith.constant 768 : i32
    %parallel_loop3A_382 = arith.constant 1 : i32
    scf.for %parallel_loop3A_514 = %parallel_loop3A_380 to %parallel_loop3A_381 step %parallel_loop3A_382  : i32 {
      %parallel_loop3A_515 = arith.constant 4 : i32
      %parallel_loop3A_516 = arith.shrsi %parallel_loop3A_514, %parallel_loop3A_515 : i32
      %parallel_loop3A_517 = arith.constant 4 : i32
      %parallel_loop3A_518 = arith.shli %parallel_loop3A_516, %parallel_loop3A_517 : i32
      %parallel_loop3A_519 = tpu.assume_multiple %parallel_loop3A_518, 16 : i32
      %parallel_loop3A_520 = arith.constant 15 : i32
      %parallel_loop3A_521 = arith.andi %parallel_loop3A_514, %parallel_loop3A_520 : i32
      %parallel_loop3A_522 = arith.constant 32 : i32
      %parallel_loop3A_523 = arith.addi %parallel_loop3A_522, %parallel_loop3A_521 : i32
      %parallel_loop3A_524 = arith.index_cast %parallel_loop3A_523 : i32 to index
      %parallel_loop3A_525 = arith.index_cast %parallel_loop3A_519 : i32 to index
      %parallel_loop3A_526 = tpu.vector_load %arg7[%parallel_loop3A_524, %parallel_loop3A_525] {strides = array<i32>} : memref<64x768xf32, #tpu.memory_space<vmem>>, vector<1x16xf32>,
      %parallel_loop3A_527 = vector.shape_cast %parallel_loop3A_526 : vector<1x16xf32> to vector<16xf32>
      %parallel_loop3A_528 = arith.index_cast %parallel_loop3A_521 : i32 to index
      %parallel_loop3A_529 = arith.index_cast %parallel_loop3A_519 : i32 to index
      %parallel_loop3A_530 = tpu.vector_load %arg10[%parallel_loop3A_528, %parallel_loop3A_529] {strides = array<i32>} : memref<16x768xf32, #tpu.memory_space<vmem>>, vector<1x16xf32>,
      %parallel_loop3A_531 = vector.shape_cast %parallel_loop3A_530 : vector<1x16xf32> to vector<16xf32>
      %parallel_loop3A_532 = vector.shape_cast %parallel_loop3A_527 : vector<16xf32> to vector<1x16xf32>
      tpu.vector_store %arg10[%parallel_loop3A_528, %parallel_loop3A_529], %parallel_loop3A_532 {add = true, strides = array<i32>} : memref<16x768xf32, #tpu.memory_space<vmem>>, vector<1x16xf32>,
    } {sc.loop_unroll_factor = 8 : i64, sc.parallel_access}
    %dma_wait3A_383 = arith.constant 0 : i32
    %dma_wait3A_384 = tpu.memref_slice %arg5[%add3A_370, %dma_wait3A_383] : memref<8192x768xf32, #tpu.memory_space<hbm>> -> memref<16x768xf32, #tpu.memory_space<hbm>>
    %dma_wait3A_385 = arith.constant 0 : i32
    %dma_wait3A_386 = tpu.memref_slice %arg5[%add3A_370, %dma_wait3A_385] : memref<8192x768xf32, #tpu.memory_space<hbm>> -> memref<16x768xf32, #tpu.memory_space<hbm>>
    tpu.wait_dma2 semaphore(%arg17 : memref<!tpu.dma_semaphore, #tpu.memory_space<semaphore_mem>>) src(%arg9 : memref<16x768xf32, #tpu.memory_space<vmem>>) dst(%dma_wait3A_386 : memref<16x768xf32, #tpu.memory_space<hbm>>)
    %dma_start3A_387 = arith.constant 112 : i32
    %dma_start3A_388 = tpu.memref_slice %arg6[%dma_start3A_387] : memref<256xi32, #tpu.memory_space<vmem>> -> memref<16xi32, #tpu.memory_space<vmem>>
    %dma_start3A_389 = arith.constant 0 : i32
    %dma_start3A_390 = arith.constant 0 : i32
    %dma_start3A_391 = tpu.memref_slice %arg3[%dma_start3A_389, %dma_start3A_390] : memref<100000x768xf32, #tpu.memory_space<hbm>> -> memref<100000x768xf32, #tpu.memory_space<hbm>>
    tpu.enqueue_indirect_dma source(%dma_start3A_391 : memref<100000x768xf32, #tpu.memory_space<hbm>>) target(%arg9 : memref<16x768xf32, #tpu.memory_space<vmem>>) offsets(%dma_start3A_388 : memref<16xi32, #tpu.memory_space<vmem>>) semaphore(%arg13 : memref<!tpu.dma_semaphore, #tpu.memory_space<semaphore_mem>>)
    %add3A_392 = arith.constant 4096 : i32
    %add3A_393 = arith.addi %add3A_392, %mul3A_2 : i32
    %add3A_394 = arith.constant 32 : i32
    %add3A_395 = arith.addi %add3A_393, %add3A_394 : i32
    %dma_start3A_396 = arith.constant 0 : i32
    %dma_start3A_397 = tpu.memref_slice %arg5[%add3A_395, %dma_start3A_396] : memref<8192x768xf32, #tpu.memory_space<hbm>> -> memref<16x768xf32, #tpu.memory_space<hbm>>
    %dma_start3A_398 = arith.constant 0 : i32
    %dma_start3A_399 = tpu.memref_slice %arg5[%add3A_395, %dma_start3A_398] : memref<8192x768xf32, #tpu.memory_space<hbm>> -> memref<16x768xf32, #tpu.memory_space<hbm>>
    tpu.enqueue_dma source(%arg10 : memref<16x768xf32, #tpu.memory_space<vmem>>) target(%dma_start3A_399 : memref<16x768xf32, #tpu.memory_space<hbm>>) target_semaphore(%arg18 : memref<!tpu.dma_semaphore, #tpu.memory_space<semaphore_mem>>)
    %dma_wait3A_400 = arith.constant 224 : i32
    %dma_wait3A_401 = tpu.memref_slice %arg6[%dma_wait3A_400] : memref<256xi32, #tpu.memory_space<vmem>> -> memref<16xi32, #tpu.memory_space<vmem>>
    %dma_wait3A_402 = arith.constant 0 : i32
    %dma_wait3A_403 = arith.constant 0 : i32
    %dma_wait3A_404 = tpu.memref_slice %arg3[%dma_wait3A_402, %dma_wait3A_403] : memref<100000x768xf32, #tpu.memory_space<hbm>> -> memref<100000x768xf32, #tpu.memory_space<hbm>>
    tpu.wait_indirect_dma semaphore(%arg15 : memref<!tpu.dma_semaphore, #tpu.memory_space<semaphore_mem>>) src(%dma_wait3A_404 : memref<100000x768xf32, #tpu.memory_space<hbm>>) dst(%arg11 : memref<16x768xf32, #tpu.memory_space<vmem>>)
    %parallel_loop3A_405 = arith.constant 0 : i32
    %parallel_loop3A_406 = arith.constant 768 : i32
    %parallel_loop3A_407 = arith.constant 1 : i32
    scf.for %parallel_loop3A_514 = %parallel_loop3A_405 to %parallel_loop3A_406 step %parallel_loop3A_407  : i32 {
      %parallel_loop3A_515 = arith.constant 4 : i32
      %parallel_loop3A_516 = arith.shrsi %parallel_loop3A_514, %parallel_loop3A_515 : i32
      %parallel_loop3A_517 = arith.constant 4 : i32
      %parallel_loop3A_518 = arith.shli %parallel_loop3A_516, %parallel_loop3A_517 : i32
      %parallel_loop3A_519 = tpu.assume_multiple %parallel_loop3A_518, 16 : i32
      %parallel_loop3A_520 = arith.constant 15 : i32
      %parallel_loop3A_521 = arith.andi %parallel_loop3A_514, %parallel_loop3A_520 : i32
      %parallel_loop3A_522 = arith.constant 32 : i32
      %parallel_loop3A_523 = arith.addi %parallel_loop3A_522, %parallel_loop3A_521 : i32
      %parallel_loop3A_524 = arith.index_cast %parallel_loop3A_523 : i32 to index
      %parallel_loop3A_525 = arith.index_cast %parallel_loop3A_519 : i32 to index
      %parallel_loop3A_526 = tpu.vector_load %arg7[%parallel_loop3A_524, %parallel_loop3A_525] {strides = array<i32>} : memref<64x768xf32, #tpu.memory_space<vmem>>, vector<1x16xf32>,
      %parallel_loop3A_527 = vector.shape_cast %parallel_loop3A_526 : vector<1x16xf32> to vector<16xf32>
      %parallel_loop3A_528 = arith.index_cast %parallel_loop3A_521 : i32 to index
      %parallel_loop3A_529 = arith.index_cast %parallel_loop3A_519 : i32 to index
      %parallel_loop3A_530 = tpu.vector_load %arg11[%parallel_loop3A_528, %parallel_loop3A_529] {strides = array<i32>} : memref<16x768xf32, #tpu.memory_space<vmem>>, vector<1x16xf32>,
      %parallel_loop3A_531 = vector.shape_cast %parallel_loop3A_530 : vector<1x16xf32> to vector<16xf32>
      %parallel_loop3A_532 = vector.shape_cast %parallel_loop3A_527 : vector<16xf32> to vector<1x16xf32>
      tpu.vector_store %arg11[%parallel_loop3A_528, %parallel_loop3A_529], %parallel_loop3A_532 {add = true, strides = array<i32>} : memref<16x768xf32, #tpu.memory_space<vmem>>, vector<1x16xf32>,
    } {sc.loop_unroll_factor = 8 : i64, sc.parallel_access}
    %dma_wait3A_408 = arith.constant 0 : i32
    %dma_wait3A_409 = tpu.memref_slice %arg5[%add3A_395, %dma_wait3A_408] : memref<8192x768xf32, #tpu.memory_space<hbm>> -> memref<16x768xf32, #tpu.memory_space<hbm>>
    %dma_wait3A_410 = arith.constant 0 : i32
    %dma_wait3A_411 = tpu.memref_slice %arg5[%add3A_395, %dma_wait3A_410] : memref<8192x768xf32, #tpu.memory_space<hbm>> -> memref<16x768xf32, #tpu.memory_space<hbm>>
    tpu.wait_dma2 semaphore(%arg18 : memref<!tpu.dma_semaphore, #tpu.memory_space<semaphore_mem>>) src(%arg10 : memref<16x768xf32, #tpu.memory_space<vmem>>) dst(%dma_wait3A_411 : memref<16x768xf32, #tpu.memory_space<hbm>>)
    %dma_start3A_412 = arith.constant 176 : i32
    %dma_start3A_413 = tpu.memref_slice %arg6[%dma_start3A_412] : memref<256xi32, #tpu.memory_space<vmem>> -> memref<16xi32, #tpu.memory_space<vmem>>
    %dma_start3A_414 = arith.constant 0 : i32
    %dma_start3A_415 = arith.constant 0 : i32
    %dma_start3A_416 = tpu.memref_slice %arg3[%dma_start3A_414, %dma_start3A_415] : memref<100000x768xf32, #tpu.memory_space<hbm>> -> memref<100000x768xf32, #tpu.memory_space<hbm>>
    tpu.enqueue_indirect_dma source(%dma_start3A_416 : memref<100000x768xf32, #tpu.memory_space<hbm>>) target(%arg10 : memref<16x768xf32, #tpu.memory_space<vmem>>) offsets(%dma_start3A_413 : memref<16xi32, #tpu.memory_space<vmem>>) semaphore(%arg14 : memref<!tpu.dma_semaphore, #tpu.memory_space<semaphore_mem>>)
    %add3A_417 = arith.constant 6144 : i32
    %add3A_418 = arith.addi %add3A_417, %mul3A_2 : i32
    %add3A_419 = arith.constant 32 : i32
    %add3A_420 = arith.addi %add3A_418, %add3A_419 : i32
    %dma_start3A_421 = arith.constant 0 : i32
    %dma_start3A_422 = tpu.memref_slice %arg5[%add3A_420, %dma_start3A_421] : memref<8192x768xf32, #tpu.memory_space<hbm>> -> memref<16x768xf32, #tpu.memory_space<hbm>>
    %dma_start3A_423 = arith.constant 0 : i32
    %dma_start3A_424 = tpu.memref_slice %arg5[%add3A_420, %dma_start3A_423] : memref<8192x768xf32, #tpu.memory_space<hbm>> -> memref<16x768xf32, #tpu.memory_space<hbm>>
    tpu.enqueue_dma source(%arg11 : memref<16x768xf32, #tpu.memory_space<vmem>>) target(%dma_start3A_424 : memref<16x768xf32, #tpu.memory_space<hbm>>) target_semaphore(%arg19 : memref<!tpu.dma_semaphore, #tpu.memory_space<semaphore_mem>>)
    %dma_wait3A_425 = arith.constant 48 : i32
    %dma_wait3A_426 = tpu.memref_slice %arg6[%dma_wait3A_425] : memref<256xi32, #tpu.memory_space<vmem>> -> memref<16xi32, #tpu.memory_space<vmem>>
    %dma_wait3A_427 = arith.constant 0 : i32
    %dma_wait3A_428 = arith.constant 0 : i32
    %dma_wait3A_429 = tpu.memref_slice %arg3[%dma_wait3A_427, %dma_wait3A_428] : memref<100000x768xf32, #tpu.memory_space<hbm>> -> memref<100000x768xf32, #tpu.memory_space<hbm>>
    tpu.wait_indirect_dma semaphore(%arg12 : memref<!tpu.dma_semaphore, #tpu.memory_space<semaphore_mem>>) src(%dma_wait3A_429 : memref<100000x768xf32, #tpu.memory_space<hbm>>) dst(%arg8 : memref<16x768xf32, #tpu.memory_space<vmem>>)
    %parallel_loop3A_430 = arith.constant 0 : i32
    %parallel_loop3A_431 = arith.constant 768 : i32
    %parallel_loop3A_432 = arith.constant 1 : i32
    scf.for %parallel_loop3A_514 = %parallel_loop3A_430 to %parallel_loop3A_431 step %parallel_loop3A_432  : i32 {
      %parallel_loop3A_515 = arith.constant 4 : i32
      %parallel_loop3A_516 = arith.shrsi %parallel_loop3A_514, %parallel_loop3A_515 : i32
      %parallel_loop3A_517 = arith.constant 4 : i32
      %parallel_loop3A_518 = arith.shli %parallel_loop3A_516, %parallel_loop3A_517 : i32
      %parallel_loop3A_519 = tpu.assume_multiple %parallel_loop3A_518, 16 : i32
      %parallel_loop3A_520 = arith.constant 15 : i32
      %parallel_loop3A_521 = arith.andi %parallel_loop3A_514, %parallel_loop3A_520 : i32
      %parallel_loop3A_522 = arith.constant 48 : i32
      %parallel_loop3A_523 = arith.addi %parallel_loop3A_522, %parallel_loop3A_521 : i32
      %parallel_loop3A_524 = arith.index_cast %parallel_loop3A_523 : i32 to index
      %parallel_loop3A_525 = arith.index_cast %parallel_loop3A_519 : i32 to index
      %parallel_loop3A_526 = tpu.vector_load %arg7[%parallel_loop3A_524, %parallel_loop3A_525] {strides = array<i32>} : memref<64x768xf32, #tpu.memory_space<vmem>>, vector<1x16xf32>,
      %parallel_loop3A_527 = vector.shape_cast %parallel_loop3A_526 : vector<1x16xf32> to vector<16xf32>
      %parallel_loop3A_528 = arith.index_cast %parallel_loop3A_521 : i32 to index
      %parallel_loop3A_529 = arith.index_cast %parallel_loop3A_519 : i32 to index
      %parallel_loop3A_530 = tpu.vector_load %arg8[%parallel_loop3A_528, %parallel_loop3A_529] {strides = array<i32>} : memref<16x768xf32, #tpu.memory_space<vmem>>, vector<1x16xf32>,
      %parallel_loop3A_531 = vector.shape_cast %parallel_loop3A_530 : vector<1x16xf32> to vector<16xf32>
      %parallel_loop3A_532 = vector.shape_cast %parallel_loop3A_527 : vector<16xf32> to vector<1x16xf32>
      tpu.vector_store %arg8[%parallel_loop3A_528, %parallel_loop3A_529], %parallel_loop3A_532 {add = true, strides = array<i32>} : memref<16x768xf32, #tpu.memory_space<vmem>>, vector<1x16xf32>,
    } {sc.loop_unroll_factor = 8 : i64, sc.parallel_access}
    %dma_wait3A_433 = arith.constant 0 : i32
    %dma_wait3A_434 = tpu.memref_slice %arg5[%add3A_420, %dma_wait3A_433] : memref<8192x768xf32, #tpu.memory_space<hbm>> -> memref<16x768xf32, #tpu.memory_space<hbm>>
    %dma_wait3A_435 = arith.constant 0 : i32
    %dma_wait3A_436 = tpu.memref_slice %arg5[%add3A_420, %dma_wait3A_435] : memref<8192x768xf32, #tpu.memory_space<hbm>> -> memref<16x768xf32, #tpu.memory_space<hbm>>
    tpu.wait_dma2 semaphore(%arg19 : memref<!tpu.dma_semaphore, #tpu.memory_space<semaphore_mem>>) src(%arg11 : memref<16x768xf32, #tpu.memory_space<vmem>>) dst(%dma_wait3A_436 : memref<16x768xf32, #tpu.memory_space<hbm>>)
    %dma_start3A_437 = arith.constant 240 : i32
    %dma_start3A_438 = tpu.memref_slice %arg6[%dma_start3A_437] : memref<256xi32, #tpu.memory_space<vmem>> -> memref<16xi32, #tpu.memory_space<vmem>>
    %dma_start3A_439 = arith.constant 0 : i32
    %dma_start3A_440 = arith.constant 0 : i32
    %dma_start3A_441 = tpu.memref_slice %arg3[%dma_start3A_439, %dma_start3A_440] : memref<100000x768xf32, #tpu.memory_space<hbm>> -> memref<100000x768xf32, #tpu.memory_space<hbm>>
    tpu.enqueue_indirect_dma source(%dma_start3A_441 : memref<100000x768xf32, #tpu.memory_space<hbm>>) target(%arg11 : memref<16x768xf32, #tpu.memory_space<vmem>>) offsets(%dma_start3A_438 : memref<16xi32, #tpu.memory_space<vmem>>) semaphore(%arg15 : memref<!tpu.dma_semaphore, #tpu.memory_space<semaphore_mem>>)
    %add3A_442 = arith.constant 0 : i32
    %add3A_443 = arith.addi %add3A_442, %mul3A_2 : i32
    %add3A_444 = arith.constant 48 : i32
    %add3A_445 = arith.addi %add3A_443, %add3A_444 : i32
    %dma_start3A_446 = arith.constant 0 : i32
    %dma_start3A_447 = tpu.memref_slice %arg5[%add3A_445, %dma_start3A_446] : memref<8192x768xf32, #tpu.memory_space<hbm>> -> memref<16x768xf32, #tpu.memory_space<hbm>>
    %dma_start3A_448 = arith.constant 0 : i32
    %dma_start3A_449 = tpu.memref_slice %arg5[%add3A_445, %dma_start3A_448] : memref<8192x768xf32, #tpu.memory_space<hbm>> -> memref<16x768xf32, #tpu.memory_space<hbm>>
    tpu.enqueue_dma source(%arg8 : memref<16x768xf32, #tpu.memory_space<vmem>>) target(%dma_start3A_449 : memref<16x768xf32, #tpu.memory_space<hbm>>) target_semaphore(%arg16 : memref<!tpu.dma_semaphore, #tpu.memory_space<semaphore_mem>>)
    %dma_wait3A_450 = arith.constant 112 : i32
    %dma_wait3A_451 = tpu.memref_slice %arg6[%dma_wait3A_450] : memref<256xi32, #tpu.memory_space<vmem>> -> memref<16xi32, #tpu.memory_space<vmem>>
    %dma_wait3A_452 = arith.constant 0 : i32
    %dma_wait3A_453 = arith.constant 0 : i32
    %dma_wait3A_454 = tpu.memref_slice %arg3[%dma_wait3A_452, %dma_wait3A_453] : memref<100000x768xf32, #tpu.memory_space<hbm>> -> memref<100000x768xf32, #tpu.memory_space<hbm>>
    tpu.wait_indirect_dma semaphore(%arg13 : memref<!tpu.dma_semaphore, #tpu.memory_space<semaphore_mem>>) src(%dma_wait3A_454 : memref<100000x768xf32, #tpu.memory_space<hbm>>) dst(%arg9 : memref<16x768xf32, #tpu.memory_space<vmem>>)
    %parallel_loop3A_455 = arith.constant 0 : i32
    %parallel_loop3A_456 = arith.constant 768 : i32
    %parallel_loop3A_457 = arith.constant 1 : i32
    scf.for %parallel_loop3A_514 = %parallel_loop3A_455 to %parallel_loop3A_456 step %parallel_loop3A_457  : i32 {
      %parallel_loop3A_515 = arith.constant 4 : i32
      %parallel_loop3A_516 = arith.shrsi %parallel_loop3A_514, %parallel_loop3A_515 : i32
      %parallel_loop3A_517 = arith.constant 4 : i32
      %parallel_loop3A_518 = arith.shli %parallel_loop3A_516, %parallel_loop3A_517 : i32
      %parallel_loop3A_519 = tpu.assume_multiple %parallel_loop3A_518, 16 : i32
      %parallel_loop3A_520 = arith.constant 15 : i32
      %parallel_loop3A_521 = arith.andi %parallel_loop3A_514, %parallel_loop3A_520 : i32
      %parallel_loop3A_522 = arith.constant 48 : i32
      %parallel_loop3A_523 = arith.addi %parallel_loop3A_522, %parallel_loop3A_521 : i32
      %parallel_loop3A_524 = arith.index_cast %parallel_loop3A_523 : i32 to index
      %parallel_loop3A_525 = arith.index_cast %parallel_loop3A_519 : i32 to index
      %parallel_loop3A_526 = tpu.vector_load %arg7[%parallel_loop3A_524, %parallel_loop3A_525] {strides = array<i32>} : memref<64x768xf32, #tpu.memory_space<vmem>>, vector<1x16xf32>,
      %parallel_loop3A_527 = vector.shape_cast %parallel_loop3A_526 : vector<1x16xf32> to vector<16xf32>
      %parallel_loop3A_528 = arith.index_cast %parallel_loop3A_521 : i32 to index
      %parallel_loop3A_529 = arith.index_cast %parallel_loop3A_519 : i32 to index
      %parallel_loop3A_530 = tpu.vector_load %arg9[%parallel_loop3A_528, %parallel_loop3A_529] {strides = array<i32>} : memref<16x768xf32, #tpu.memory_space<vmem>>, vector<1x16xf32>,
      %parallel_loop3A_531 = vector.shape_cast %parallel_loop3A_530 : vector<1x16xf32> to vector<16xf32>
      %parallel_loop3A_532 = vector.shape_cast %parallel_loop3A_527 : vector<16xf32> to vector<1x16xf32>
      tpu.vector_store %arg9[%parallel_loop3A_528, %parallel_loop3A_529], %parallel_loop3A_532 {add = true, strides = array<i32>} : memref<16x768xf32, #tpu.memory_space<vmem>>, vector<1x16xf32>,
    } {sc.loop_unroll_factor = 8 : i64, sc.parallel_access}
    %add3A_458 = arith.constant 2048 : i32
    %add3A_459 = arith.addi %add3A_458, %mul3A_2 : i32
    %add3A_460 = arith.constant 48 : i32
    %add3A_461 = arith.addi %add3A_459, %add3A_460 : i32
    %dma_start3A_462 = arith.constant 0 : i32
    %dma_start3A_463 = tpu.memref_slice %arg5[%add3A_461, %dma_start3A_462] : memref<8192x768xf32, #tpu.memory_space<hbm>> -> memref<16x768xf32, #tpu.memory_space<hbm>>
    %dma_start3A_464 = arith.constant 0 : i32
    %dma_start3A_465 = tpu.memref_slice %arg5[%add3A_461, %dma_start3A_464] : memref<8192x768xf32, #tpu.memory_space<hbm>> -> memref<16x768xf32, #tpu.memory_space<hbm>>
    tpu.enqueue_dma source(%arg9 : memref<16x768xf32, #tpu.memory_space<vmem>>) target(%dma_start3A_465 : memref<16x768xf32, #tpu.memory_space<hbm>>) target_semaphore(%arg17 : memref<!tpu.dma_semaphore, #tpu.memory_space<semaphore_mem>>)
    %dma_wait3A_466 = arith.constant 176 : i32
    %dma_wait3A_467 = tpu.memref_slice %arg6[%dma_wait3A_466] : memref<256xi32, #tpu.memory_space<vmem>> -> memref<16xi32, #tpu.memory_space<vmem>>
    %dma_wait3A_468 = arith.constant 0 : i32
    %dma_wait3A_469 = arith.constant 0 : i32
    %dma_wait3A_470 = tpu.memref_slice %arg3[%dma_wait3A_468, %dma_wait3A_469] : memref<100000x768xf32, #tpu.memory_space<hbm>> -> memref<100000x768xf32, #tpu.memory_space<hbm>>
    tpu.wait_indirect_dma semaphore(%arg14 : memref<!tpu.dma_semaphore, #tpu.memory_space<semaphore_mem>>) src(%dma_wait3A_470 : memref<100000x768xf32, #tpu.memory_space<hbm>>) dst(%arg10 : memref<16x768xf32, #tpu.memory_space<vmem>>)
    %parallel_loop3A_471 = arith.constant 0 : i32
    %parallel_loop3A_472 = arith.constant 768 : i32
    %parallel_loop3A_473 = arith.constant 1 : i32
    scf.for %parallel_loop3A_514 = %parallel_loop3A_471 to %parallel_loop3A_472 step %parallel_loop3A_473  : i32 {
      %parallel_loop3A_515 = arith.constant 4 : i32
      %parallel_loop3A_516 = arith.shrsi %parallel_loop3A_514, %parallel_loop3A_515 : i32
      %parallel_loop3A_517 = arith.constant 4 : i32
      %parallel_loop3A_518 = arith.shli %parallel_loop3A_516, %parallel_loop3A_517 : i32
      %parallel_loop3A_519 = tpu.assume_multiple %parallel_loop3A_518, 16 : i32
      %parallel_loop3A_520 = arith.constant 15 : i32
      %parallel_loop3A_521 = arith.andi %parallel_loop3A_514, %parallel_loop3A_520 : i32
      %parallel_loop3A_522 = arith.constant 48 : i32
      %parallel_loop3A_523 = arith.addi %parallel_loop3A_522, %parallel_loop3A_521 : i32
      %parallel_loop3A_524 = arith.index_cast %parallel_loop3A_523 : i32 to index
      %parallel_loop3A_525 = arith.index_cast %parallel_loop3A_519 : i32 to index
      %parallel_loop3A_526 = tpu.vector_load %arg7[%parallel_loop3A_524, %parallel_loop3A_525] {strides = array<i32>} : memref<64x768xf32, #tpu.memory_space<vmem>>, vector<1x16xf32>,
      %parallel_loop3A_527 = vector.shape_cast %parallel_loop3A_526 : vector<1x16xf32> to vector<16xf32>
      %parallel_loop3A_528 = arith.index_cast %parallel_loop3A_521 : i32 to index
      %parallel_loop3A_529 = arith.index_cast %parallel_loop3A_519 : i32 to index
      %parallel_loop3A_530 = tpu.vector_load %arg10[%parallel_loop3A_528, %parallel_loop3A_529] {strides = array<i32>} : memref<16x768xf32, #tpu.memory_space<vmem>>, vector<1x16xf32>,
      %parallel_loop3A_531 = vector.shape_cast %parallel_loop3A_530 : vector<1x16xf32> to vector<16xf32>
      %parallel_loop3A_532 = vector.shape_cast %parallel_loop3A_527 : vector<16xf32> to vector<1x16xf32>
      tpu.vector_store %arg10[%parallel_loop3A_528, %parallel_loop3A_529], %parallel_loop3A_532 {add = true, strides = array<i32>} : memref<16x768xf32, #tpu.memory_space<vmem>>, vector<1x16xf32>,
    } {sc.loop_unroll_factor = 8 : i64, sc.parallel_access}
    %add3A_474 = arith.constant 4096 : i32
    %add3A_475 = arith.addi %add3A_474, %mul3A_2 : i32
    %add3A_476 = arith.constant 48 : i32
    %add3A_477 = arith.addi %add3A_475, %add3A_476 : i32
    %dma_start3A_478 = arith.constant 0 : i32
    %dma_start3A_479 = tpu.memref_slice %arg5[%add3A_477, %dma_start3A_478] : memref<8192x768xf32, #tpu.memory_space<hbm>> -> memref<16x768xf32, #tpu.memory_space<hbm>>
    %dma_start3A_480 = arith.constant 0 : i32
    %dma_start3A_481 = tpu.memref_slice %arg5[%add3A_477, %dma_start3A_480] : memref<8192x768xf32, #tpu.memory_space<hbm>> -> memref<16x768xf32, #tpu.memory_space<hbm>>
    tpu.enqueue_dma source(%arg10 : memref<16x768xf32, #tpu.memory_space<vmem>>) target(%dma_start3A_481 : memref<16x768xf32, #tpu.memory_space<hbm>>) target_semaphore(%arg18 : memref<!tpu.dma_semaphore, #tpu.memory_space<semaphore_mem>>)
    %dma_wait3A_482 = arith.constant 240 : i32
    %dma_wait3A_483 = tpu.memref_slice %arg6[%dma_wait3A_482] : memref<256xi32, #tpu.memory_space<vmem>> -> memref<16xi32, #tpu.memory_space<vmem>>
    %dma_wait3A_484 = arith.constant 0 : i32
    %dma_wait3A_485 = arith.constant 0 : i32
    %dma_wait3A_486 = tpu.memref_slice %arg3[%dma_wait3A_484, %dma_wait3A_485] : memref<100000x768xf32, #tpu.memory_space<hbm>> -> memref<100000x768xf32, #tpu.memory_space<hbm>>
    tpu.wait_indirect_dma semaphore(%arg15 : memref<!tpu.dma_semaphore, #tpu.memory_space<semaphore_mem>>) src(%dma_wait3A_486 : memref<100000x768xf32, #tpu.memory_space<hbm>>) dst(%arg11 : memref<16x768xf32, #tpu.memory_space<vmem>>)
    %parallel_loop3A_487 = arith.constant 0 : i32
    %parallel_loop3A_488 = arith.constant 768 : i32
    %parallel_loop3A_489 = arith.constant 1 : i32
    scf.for %parallel_loop3A_514 = %parallel_loop3A_487 to %parallel_loop3A_488 step %parallel_loop3A_489  : i32 {
      %parallel_loop3A_515 = arith.constant 4 : i32
      %parallel_loop3A_516 = arith.shrsi %parallel_loop3A_514, %parallel_loop3A_515 : i32
      %parallel_loop3A_517 = arith.constant 4 : i32
      %parallel_loop3A_518 = arith.shli %parallel_loop3A_516, %parallel_loop3A_517 : i32
      %parallel_loop3A_519 = tpu.assume_multiple %parallel_loop3A_518, 16 : i32
      %parallel_loop3A_520 = arith.constant 15 : i32
      %parallel_loop3A_521 = arith.andi %parallel_loop3A_514, %parallel_loop3A_520 : i32
      %parallel_loop3A_522 = arith.constant 48 : i32
      %parallel_loop3A_523 = arith.addi %parallel_loop3A_522, %parallel_loop3A_521 : i32
      %parallel_loop3A_524 = arith.index_cast %parallel_loop3A_523 : i32 to index
      %parallel_loop3A_525 = arith.index_cast %parallel_loop3A_519 : i32 to index
      %parallel_loop3A_526 = tpu.vector_load %arg7[%parallel_loop3A_524, %parallel_loop3A_525] {strides = array<i32>} : memref<64x768xf32, #tpu.memory_space<vmem>>, vector<1x16xf32>,
      %parallel_loop3A_527 = vector.shape_cast %parallel_loop3A_526 : vector<1x16xf32> to vector<16xf32>
      %parallel_loop3A_528 = arith.index_cast %parallel_loop3A_521 : i32 to index
      %parallel_loop3A_529 = arith.index_cast %parallel_loop3A_519 : i32 to index
      %parallel_loop3A_530 = tpu.vector_load %arg11[%parallel_loop3A_528, %parallel_loop3A_529] {strides = array<i32>} : memref<16x768xf32, #tpu.memory_space<vmem>>, vector<1x16xf32>,
      %parallel_loop3A_531 = vector.shape_cast %parallel_loop3A_530 : vector<1x16xf32> to vector<16xf32>
      %parallel_loop3A_532 = vector.shape_cast %parallel_loop3A_527 : vector<16xf32> to vector<1x16xf32>
      tpu.vector_store %arg11[%parallel_loop3A_528, %parallel_loop3A_529], %parallel_loop3A_532 {add = true, strides = array<i32>} : memref<16x768xf32, #tpu.memory_space<vmem>>, vector<1x16xf32>,
    } {sc.loop_unroll_factor = 8 : i64, sc.parallel_access}
    %add3A_490 = arith.constant 6144 : i32
    %add3A_491 = arith.addi %add3A_490, %mul3A_2 : i32
    %add3A_492 = arith.constant 48 : i32
    %add3A_493 = arith.addi %add3A_491, %add3A_492 : i32
    %dma_start3A_494 = arith.constant 0 : i32
    %dma_start3A_495 = tpu.memref_slice %arg5[%add3A_493, %dma_start3A_494] : memref<8192x768xf32, #tpu.memory_space<hbm>> -> memref<16x768xf32, #tpu.memory_space<hbm>>
    %dma_start3A_496 = arith.constant 0 : i32
    %dma_start3A_497 = tpu.memref_slice %arg5[%add3A_493, %dma_start3A_496] : memref<8192x768xf32, #tpu.memory_space<hbm>> -> memref<16x768xf32, #tpu.memory_space<hbm>>
    tpu.enqueue_dma source(%arg11 : memref<16x768xf32, #tpu.memory_space<vmem>>) target(%dma_start3A_497 : memref<16x768xf32, #tpu.memory_space<hbm>>) target_semaphore(%arg19 : memref<!tpu.dma_semaphore, #tpu.memory_space<semaphore_mem>>)
    %dma_wait3A_498 = arith.constant 0 : i32
    %dma_wait3A_499 = tpu.memref_slice %arg5[%add3A_445, %dma_wait3A_498] : memref<8192x768xf32, #tpu.memory_space<hbm>> -> memref<16x768xf32, #tpu.memory_space<hbm>>
    %dma_wait3A_500 = arith.constant 0 : i32
    %dma_wait3A_501 = tpu.memref_slice %arg5[%add3A_445, %dma_wait3A_500] : memref<8192x768xf32, #tpu.memory_space<hbm>> -> memref<16x768xf32, #tpu.memory_space<hbm>>
    tpu.wait_dma2 semaphore(%arg16 : memref<!tpu.dma_semaphore, #tpu.memory_space<semaphore_mem>>) src(%arg8 : memref<16x768xf32, #tpu.memory_space<vmem>>) dst(%dma_wait3A_501 : memref<16x768xf32, #tpu.memory_space<hbm>>)
    %dma_wait3A_502 = arith.constant 0 : i32
    %dma_wait3A_503 = tpu.memref_slice %arg5[%add3A_461, %dma_wait3A_502] : memref<8192x768xf32, #tpu.memory_space<hbm>> -> memref<16x768xf32, #tpu.memory_space<hbm>>
    %dma_wait3A_504 = arith.constant 0 : i32
    %dma_wait3A_505 = tpu.memref_slice %arg5[%add3A_461, %dma_wait3A_504] : memref<8192x768xf32, #tpu.memory_space<hbm>> -> memref<16x768xf32, #tpu.memory_space<hbm>>
    tpu.wait_dma2 semaphore(%arg17 : memref<!tpu.dma_semaphore, #tpu.memory_space<semaphore_mem>>) src(%arg9 : memref<16x768xf32, #tpu.memory_space<vmem>>) dst(%dma_wait3A_505 : memref<16x768xf32, #tpu.memory_space<hbm>>)
    %dma_wait3A_506 = arith.constant 0 : i32
    %dma_wait3A_507 = tpu.memref_slice %arg5[%add3A_477, %dma_wait3A_506] : memref<8192x768xf32, #tpu.memory_space<hbm>> -> memref<16x768xf32, #tpu.memory_space<hbm>>
    %dma_wait3A_508 = arith.constant 0 : i32
    %dma_wait3A_509 = tpu.memref_slice %arg5[%add3A_477, %dma_wait3A_508] : memref<8192x768xf32, #tpu.memory_space<hbm>> -> memref<16x768xf32, #tpu.memory_space<hbm>>
    tpu.wait_dma2 semaphore(%arg18 : memref<!tpu.dma_semaphore, #tpu.memory_space<semaphore_mem>>) src(%arg10 : memref<16x768xf32, #tpu.memory_space<vmem>>) dst(%dma_wait3A_509 : memref<16x768xf32, #tpu.memory_space<hbm>>)
    %dma_wait3A_510 = arith.constant 0 : i32
    %dma_wait3A_511 = tpu.memref_slice %arg5[%add3A_493, %dma_wait3A_510] : memref<8192x768xf32, #tpu.memory_space<hbm>> -> memref<16x768xf32, #tpu.memory_space<hbm>>
    %dma_wait3A_512 = arith.constant 0 : i32
    %dma_wait3A_513 = tpu.memref_slice %arg5[%add3A_493, %dma_wait3A_512] : memref<8192x768xf32, #tpu.memory_space<hbm>> -> memref<16x768xf32, #tpu.memory_space<hbm>>
    tpu.wait_dma2 semaphore(%arg19 : memref<!tpu.dma_semaphore, #tpu.memory_space<semaphore_mem>>) src(%arg11 : memref<16x768xf32, #tpu.memory_space<vmem>>) dst(%dma_wait3A_513 : memref<16x768xf32, #tpu.memory_space<hbm>>)
    return
  }
}

</mosaic_0001>

<sc_bundles>
// kernel: kernel.3.cloned.1.call-start
scs
__scs_entry_jumppad:
0x0: {  	(pc) =	sbr.rel $0x88, $3  }
0x1: {  	(tag) =	ssettag $0x0;
	lr =	simm.s32 $0x1  }
0x2: {  	[smem:$0x3F9E] =	sst lr;
	_ =	strace $0xD0000000  }
0x3: {  	_ = 	snop  }
0x4: {  	_ = 	snop  }
0x5: {  	_ = 	snop  }
0x6: {  	_ = 	snop  }
0x7: {  	_ = 	snop  }
__scs_overlays_trampoline_lowered:
0x8: {  	[smem:$0x3FAD] =	sst s0  }
0x9: {  	[smem:$0x3FAE] =	sst s1  }
0xa: {  	[smem:$0x3FAF] =	sst s2  }
0xb: {  	[smem:$0x3FB0] =	sst s3  }
0xc: {  	[smem:$0x3FB1] =	sst s4  }
0xd: {  	[smem:$0x3FB2] =	sst s5  }
0xe: {  	[smem:$0x3FB3] =	sst s6  }
0xf: {  	[smem:$0x3FB4] =	sst s7  }
0x10: {  	[smem:$0x3FB5] =	sst s8  }
0x11: {  	[smem:$0x3FB6] =	sst s9;
	s0 =	simm.s32 @!p0 $0x0  }
0x12: {  	s1 =	sld [smem:$0x3F9C];
	s0 =	simm.s32 @p0 $0x1  }
0x13: {  	[smem:$0x3FB7] =	sst s0;
	s0 =	simm.s32 @!p1 $0x0  }
0x14: {  	s2 =	sld [smem:$0x3F9B];
	s0 =	simm.s32 @p1 $0x1  }
0x15: {  	[smem:$0x3FB8] =	sst s0;
	s0 =	simm.s32 @!p2 $0x0  }
0x16: {  	s3 =	sld [smem:$0x3FDB];
	s0 =	simm.s32 @p2 $0x1  }
0x17: {  	s4 =	simm.s32 $0x1BF5;
	[smem:$0x3FBA] =	sst s0  }
0x18: {  	s0 =	sld [smem:$0x3F9D];
	_ =	swait.ge [sflag:s4], $0x0  }
0x19: {  	s7 =	sld [smem:$0x3F9E]  }
0x1a: {  	s8 =	sadd.s32 $0xFFFFE003, lr  }
0x1b: {  	s9 =	sadd.s32 $0xFFFFFEF7, lr;
	s5 =	simm.s32 $0xFFFFFFFF;
	p2 =	slt.u32 s8, $0xFFFFF086  }
0x1c: {  	p1 =	slt.u32 s9, $0xF7A;
	s5 =	simm.s32 @!p2 $0x0  }
0x1d: {  	s5 =	simm.s32 @p1 $0x1;
	p0 =	seq.s32 s7, s2  }
0x1e: {  	s7 =	smul.u32 @!p0 $0xF7A, s2;
	p2 =	seq.s32 @!p0 s5, $0x0  }
0x1f: {  	s9 =	smul.u32 $0xF7A, s1;
	s8 =	simm.s32 @!p0 $0x1BF5;
	p2 =	por !p2, p0  }
0x20: {  	[sflag:s8] =	ssyncset.s32 @!p0 $0xFFFFF086;
	s6 =	sadd.s32 @!p0 s3, s7;
	s7 =	simm.s32 @!p0 $0x108  }
0x21: {  	s3 =	sadd.s32 s3, s9;
	s6 =	sadd.s32 @!p0 $0x88, s6;
	s7 =	simm.s32 @p2 $0x1082  }
0x22: {  	[simem:s7], [sflag:s8] =	dma.local @!p0 [hbm:s6], $0xF7A  }
0x23: {  	s9 =	sor.u32 $0xD0000000, s2;
	s6 =	simm.s32 $0x108;
	_ =	swait.ge @!p0 [sflag:s8], $0x0  }
0x24: {  	s3 =	sadd.s32 $0x88, s3;
	s6 =	simm.s32 @!p1 $0x1082;
	[sflag:s4] =	ssyncset.s32 $0xFFFFF086  }
0x25: {  	[simem:s6], [sflag:s4] =	dma.local [hbm:s3], $0xF7A  }
0x26: {  	[smem:$0x3F9E] =	sst s1;
	(tag) =	ssettag s2;
	_ =	strace s9  }
0x27: {  	s1 =	sld [smem:$0x3FAE]  }
0x28: {  	s2 =	sld [smem:$0x3FAF]  }
0x29: {  	s4 =	sld [smem:$0x3FB1]  }
0x2a: {  	p0 =	seq.s32 s5, $0x0;
	s5 =	sld [smem:$0x3FB2]  }
0x2b: {  	s6 =	sld [smem:$0x3FB3]  }
0x2c: {  	s7 =	sld [smem:$0x3FB4]  }
0x2d: {  	s3 =	simm.s32 $0x108;
	s8 =	sld [smem:$0x3FB5]  }
0x2e: {  	s3 =	simm.s32 @!p0 $0x1082;
	s9 =	sld [smem:$0x3FB6]  }
0x2f: {  	lr =	sadd.s32 s0, s3;
	s0 =	sld [smem:$0x3FAD]  }
0x30: {  	s3 =	sld [smem:$0x3FB0]  }
0x31: {  	[smem:$0x3FB9] =	sst s10  }
0x32: {  	s10 =	sld [smem:$0x3FB7];
	_ =	sdelay $0x3  }
0x33: {  	p0 =	seq.s32 s10, $0x1;
	s10 =	sld [smem:$0x3FB9];
	_ =	sdelay $0x3  }
0x34: {  	[smem:$0x3FB9] =	sst s10  }
0x35: {  	s10 =	sld [smem:$0x3FB8];
	_ =	sdelay $0x3  }
0x36: {  	p1 =	seq.s32 s10, $0x1;
	s10 =	sld [smem:$0x3FB9];
	_ =	sdelay $0x3  }
0x37: {  	[smem:$0x3FB9] =	sst s10  }
0x38: {  	s10 =	sld [smem:$0x3FBA]  }
0x39: {  	_ = 	snop;
	(pc) =	sbr.ind lr, $3  }
0x3a: {  	_ = 	snop  }
0x3b: {  	_ = 	snop  }
0x3c: {  	p2 =	seq.s32 s10, $0x1;
	s10 =	sld [smem:$0x3FB9]  }
0x3d: {  	_ =	shalt  }
0x3e: {  	_ =	shalt  }
0x3f: {  	_ =	shalt  }
0x40: {  	_ =	shalt  }
0x41: {  	_ =	shalt  }
0x42: {  	_ =	shalt  }
0x43: {  	_ =	shalt  }
0x44: {  	_ =	shalt  }
0x45: {  	_ =	shalt  }
0x46: {  	_ =	shalt  }
0x47: {  	_ =	shalt  }
0x48: {  	_ =	shalt  }
0x49: {  	_ =	shalt  }
0x4a: {  	_ =	shalt  }
0x4b: {  	_ =	shalt  }
0x4c: {  	_ =	shalt  }
0x4d: {  	_ =	shalt  }
0x4e: {  	_ =	shalt  }
0x4f: {  	_ =	shalt  }
0x50: {  	_ =	shalt  }
0x51: {  	_ =	shalt  }
0x52: {  	_ =	shalt  }
0x53: {  	_ =	shalt  }
0x54: {  	_ =	shalt  }
0x55: {  	_ =	shalt  }
0x56: {  	_ =	shalt  }
0x57: {  	_ =	shalt  }
0x58: {  	_ =	shalt  }
0x59: {  	_ =	shalt  }
0x5a: {  	_ =	shalt  }
0x5b: {  	_ =	shalt  }
0x5c: {  	_ =	shalt  }
0x5d: {  	_ =	shalt  }
0x5e: {  	_ =	shalt  }
0x5f: {  	_ =	shalt  }
0x60: {  	_ =	shalt  }
0x61: {  	_ =	shalt  }
0x62: {  	_ =	shalt  }
0x63: {  	_ =	shalt  }
0x64: {  	_ =	shalt  }
0x65: {  	_ =	shalt  }
0x66: {  	_ =	shalt  }
0x67: {  	_ =	shalt  }
0x68: {  	_ =	shalt  }
0x69: {  	_ =	shalt  }
0x6a: {  	_ =	shalt  }
0x6b: {  	_ =	shalt  }
0x6c: {  	_ =	shalt  }
0x6d: {  	_ =	shalt  }
0x6e: {  	_ =	shalt  }
0x6f: {  	_ =	shalt  }
0x70: {  	_ =	shalt  }
0x71: {  	_ =	shalt  }
0x72: {  	_ =	shalt  }
0x73: {  	_ =	shalt  }
0x74: {  	_ =	shalt  }
0x75: {  	_ =	shalt  }
0x76: {  	_ =	shalt  }
0x77: {  	_ =	shalt  }
0x78: {  	_ =	shalt  }
0x79: {  	_ =	shalt  }
0x7a: {  	_ =	shalt  }
0x7b: {  	_ =	shalt  }
0x7c: {  	_ =	shalt  }
0x7d: {  	_ =	shalt  }
0x7e: {  	_ =	shalt  }
0x7f: {  	_ =	shalt  }
0x80: {  	_ =	shalt  }
0x81: {  	_ =	shalt  }
0x82: {  	_ =	shalt  }
0x83: {  	_ =	shalt  }
0x84: {  	_ =	shalt  }
0x85: {  	_ =	shalt  }
0x86: {  	_ =	shalt  }
0x87: {  	_ =	shalt  }
.Lfunc_end0:
.L_simem_size_0:
called_computation_lowered:
.L_overlay_start_0:
0x88: {  	s2 =	sld [smem:$0x3FD9]  }
0x89: {  	s3 =	sld [smem:$0x3FFE];
	_ =	sdelay $0x1  }
0x8a: {  	s1 =	srdreg.scid  }
0x8b: {  	s0 =	sand.u32 $0x1, s1  }
0x8c: {  	s18 =	sshll.u32 s0, $0xA;
	s2 =	sadd.s32 s3, s2  }
0x8d: {  	s2 =	sadd.s32 s2, s18  }
0x8e: {  	[smem:$0x3FC5] =	sst s2  }
0x8f: {  	_ = 	snop  }
0x90: {  	s2 =	sld [smem:$0x3FC9]  }
0x91: {  	s19 =	sld [smem:$0x3FC8]  }
0x92: {  	s4 =	sld [smem:$0x3FC7]  }
0x93: {  	s5 =	sld [smem:$0x3FD0];
	(tm) =	ssettm $0x1  }
0x94: {  	s6 =	sld [smem:$0x3FFB];
	_ =	sdelay $0x3  }
0x95: {  	_ =	strace s6  }
0x96: {  	s6 =	sld [smem:$0x3FFC];
	_ =	sdelay $0x3  }
0x97: {  	_ =	strace s6  }
0x98: {  	s6 =	sld [smem:$0x3FFD];
	_ =	sdelay $0x3  }
0x99: {  	_ =	strace s6  }
0x9a: {  	_ =	strace $0x8FFFFFFF  }
0x9b: {  	s20 =	sld [smem:$0x3FDB];
	_ =	sdelay $0x1  }
0x9c: {  	s7 =	simm.s32 $_scs_section_size  }
0x9d: {  	s8 =	simm.s32 $_size__tile_overlayer_lowered;
	s9 =	simm.s32 $_tile_overlayer_lowered  }
0x9e: {  	s23 =	simm.s32 $0x1BFF;
	s22 =	sshll.u32 s9, $0x1;
	s6 =	sadd.s32 s7, s20  }
0x9f: {  	s10 =	simm.s32 $0x0;
	s21 =	sshll.u32 s8, $0x1;
	s8 =	sadd.s32 s22, s6  }
0xa0: {  	[timem:s10], [sflag:s23] =	dma.local [hbm:s8], s21  }
0xa1: {  	_ =	swait.ge [sflag:s23], s21  }
0xa2: {  	s7 =	ssub.s32 $0x0, s21;
	[sflag:s23] =	ssyncset.done $0x0  }
0xa3: {  	[sflag:s23] =	ssyncadd.s32 s7;
	_ =	sdelay $0x1  }
0xa4: {  	s24 =	simm.s32 $0x1B8B  }
0xa5: {  	_ =	swait.ge [sflag:s24], $0x1  }
0xa6: {  	[sflag:s24] =	ssyncset.done $0x0  }
0xa7: {  	s25 =	simm.s32 $0x1B8E;
	[sflag:s24] =	ssyncadd.s32 $0xFFFFFFFF  }
0xa8: {  	s26 =	simm.s32 $execute0_lowered;
	[smem:$0x3FD2] =	sst s25  }
0xa9: {  	s7 =	sshll.u32 s26, $0x1;
	_ =	strace $0x80000046;
	[dreg:$0x1] =	wrdreg $0xFFFFFFFF  }
0xaa: {  	s28 =	simm.s32 $_size_execute0_lowered;
	s6 =	sadd.s32 s6, s7;
	[dreg:$0x0] =	wrdreg $0x0  }
0xab: {  	s7 =	sshll.u32 s28, $0x1;
	[dreg:$0x2] =	wrdreg s6  }
0xac: {  	[dreg:$0x3] =	wrdreg s7  }
0xad: {  	[dreg:$0x4] =	wrdreg $0xC0  }
0xae: {  	_ =	task [dreg:s10], $0x5FFFF  }
0xaf: {  	[dreg:$0x1] =	wrdreg $0xFFFFFFFF  }
0xb0: {  	[dreg:$0x0] =	wrdreg $0x60  }
0xb1: {  	[dreg:$0x2] =	wrdreg s2  }
0xb2: {  	[dreg:$0x3] =	wrdreg s19  }
0xb3: {  	[dreg:$0x4] =	wrdreg s4  }
0xb4: {  	[dreg:$0x5] =	wrdreg s5  }
0xb5: {  	[dreg:$0x6] =	wrdreg $0x9  }
0xb6: {  	_ =	task.clear_ibuf [dreg:s10], $0x7FFFF;
	_ =	strace $0x90000046  }
0xb7: {  	s29 =	simm.s32 $0x9;
	_ =	strace $0x80000048  }
0xb8: {  	_ =	swait.ge [sflag:s29], $0x1  }
0xb9: {  	[sflag:s29] =	ssyncadd.s32 $0xFFFFFFFF  }
0xba: {  	_ =	strace $0x90000048  }
0xbb: {  	_ =	sfence  }
0xbc: {  	s30 =	sld [smem:$0x0];
	_ =	sdelay $0x2  }
0xbd: {  	s31 =	sshll.u32 s1, $0xD;
	s1 =	sshrl.u32 s1, $0x2  }
0xbe: {  	s3 =	sand.u32 $0x4000, s31;
	s1 =	sadd.s32 s1, s30  }
0xbf: {  	s0 =	sor.u32 s3, s0;
	s1 =	sshll.u32 s1, $0x11  }
0xc0: {  	s0 =	sor.u32 s1, s0  }
0xc1: {  	s0 =	sadd.s32 $0x8F2B, s0  }
0xc2: {  	[sflag:s0] =	ssyncadd.remote.s32 $0x1  }
0xc3: {  	_ =	sfence.sel $0xFFFF  }
0xc4: {  	[dreg:$0x0] =	wrdreg $0xFFFFFFFF;
	(pc) =	sbr.abs _section_cstart, $3  }
0xc5: {  	[dreg:$0x1] =	wrdreg $0xFFFFFFFF  }
0xc6: {  	_ =	task.clear_ibuf [dreg:s10], $0x2FFFF;
	_ =	strace $0x9FFFFFFF  }
0xc7: {  	(tm) =	ssettm $0x7FFFFFFF  }
tec
execute0_lowered:
.L_overlay_start_1:
0x0: {  	(tag) =	ssettag $0x1  }
0x1: {  	s0 =	rddreg [dreg:$0x0];
	s2 =	srdreg.scid  }
0x2: {  	s1 =	rddreg [dreg:$0x1];
	s3 =	stileid.u32;
	s2 =	sand.u32 $0x1, s2  }
0x3: {  	s4 =	rddreg [dreg:$0x2];
	s3 =	sshll.u32 s3, $0x7;
	s5 =	sshll.u32 s2, $0x6  }
0x4: {  	s6 =	rddreg [dreg:$0x3];
	s7 =	sor.u32 s5, s3  }
0x5: {  	s2 =	ssub.s32 $0x2, s2;
	s8 =	sshll.u32 s7, $0x2;
	s7 =	sshrl.u32 s7, $0x3  }
0x6: {  	s3 =	simm.s32 $0x0;
	s10 =	sshrl.u32 s2, $0x1;
	s23 =	smul.u32 $0x1800, s7  }
0x7: {  	[smem:$0x7FF] =	sst s3;
	s9 =	sand.u32 $0x1E00, s8;
	s7 =	smul.u32 $0x300, s7  }
0x8: {  	s2 =	ssub.s32 s2, s10;
	_ =	strace $0x80000047;
	s9 =	sor.u32 s5, s9  }
0x9: {  	s5 =	sor.u32 s5, s8;
	s9 =	sshrl.u32 s9, $0x3;
	s26 =	sadd.s32 s4, s7  }
0xa: {  	s8 =	sshrl.u32 s23, $0x3;
	s23 =	smax.u32 s2, $0x1;
	[dreg:$0x9] =	wrdreg s26  }
0xb: {  	s5 =	sshrl.u32 s5, $0x3;
	s9 =	sadd.s32 s0, s9;
	[dreg:$0x18] =	wrdreg s23  }
0xc: {  	s25 =	sadd.s32 $0xC00, s8;
	[dreg:$0x5] =	wrdreg s9;
	s9 =	sadd.s32 $0x10, s9  }
0xd: {  	s24 =	sor.u32 $0x20, s5;
	s4 =	sadd.s32 s4, s25;
	[dreg:$0x6] =	wrdreg s9  }
0xe: {  	s5 =	sor.u32 $0x30, s5;
	s9 =	sadd.s32 s0, s24;
	[dreg:$0xa] =	wrdreg s4  }
0xf: {  	s0 =	sadd.s32 s0, s5;
	[dreg:$0x7] =	wrdreg s9  }
0x10: {  	[dreg:$0x8] =	wrdreg s0;
	s0 =	sadd.s32 s6, s25  }
0x11: {  	s9 =	sadd.s32 s6, s7;
	[dreg:$0x13] =	wrdreg s0  }
0x12: {  	s10 =	sadd.s32 $0x30000, s9;
	[dreg:$0xb] =	wrdreg s9  }
0x13: {  	s28 =	simm.s32 $0x1;
	s13 =	sadd.s32 $0x60000, s9;
	[dreg:$0xc] =	wrdreg s10  }
0x14: {  	s29 =	simm.s32 $0x15100;
	s14 =	sadd.s32 $0x90000, s9;
	[dreg:$0xd] =	wrdreg s13  }
0x15: {  	s31 =	simm.s32 $0x16900;
	s15 =	sadd.s32 $0x600, s9;
	[dreg:$0xe] =	wrdreg s14  }
0x16: {  	s30 =	simm.s32 $0x2;
	s16 =	sadd.s32 $0x30600, s9;
	[dreg:$0xf] =	wrdreg s15  }
0x17: {  	s11 =	sadd.s32 $0x100, s1;
	s17 =	sadd.s32 $0x60600, s9;
	[dreg:$0x10] =	wrdreg s16  }
0x18: {  	s12 =	sadd.s32 $0x200, s1;
	s18 =	sadd.s32 $0x90600, s9;
	[dreg:$0x11] =	wrdreg s17  }
0x19: {  	s2 =	simm.s32 $0x17100;
	s19 =	sadd.s32 $0x30C00, s9;
	[dreg:$0x12] =	wrdreg s18  }
0x1a: {  	s20 =	sadd.s32 s6, s8;
	s21 =	sadd.s32 $0x60C00, s9;
	[dreg:$0x14] =	wrdreg s19  }
0x1b: {  	s8 =	simm.s32 $0x4;
	s22 =	sadd.s32 $0x90C00, s9;
	[dreg:$0x15] =	wrdreg s21  }
0x1c: {  	s5 =	simm.s32 $0xC100;
	s0 =	sadd.s32 $0x1200, s20;
	[dreg:$0x16] =	wrdreg s22  }
0x1d: {  	s4 =	simm.s32 $0x15900;
	s24 =	sadd.s32 $0x31200, s9;
	[dreg:$0x17] =	wrdreg s0  }
0x1e: {  	s6 =	simm.s32 $0x3;
	s25 =	sadd.s32 $0x61200, s9;
	[dreg:$0x19] =	wrdreg s24  }
0x1f: {  	s7 =	simm.s32 $0x6;
	s26 =	sadd.s32 $0x91200, s9;
	[dreg:$0x1a] =	wrdreg s25  }
0x20: {  	v2 =	vlaneseq.u32;
	s20 =	simm.s32 $0x12100;
	s9 =	simm.s32 $0x7;
	[dreg:$0x1b] =	wrdreg s26  }
0x21: {  	vm0 =	vmmov $0xffff;
	v1 =	vshrl.u32 v2, $0x3;
	s14 =	simm.s32 $0xF100;
	s10 =	simm.s32 $0x16100;
	s0 =	simm.s32 $0x17900  }
0x22: {  	v0 =	vand.u32 $0x7, v2;
	v2 =	vor.u32 $0x8, v2;
	v1 =	vmul.u32 $0x8, v1;
	s26 =	simm.s32 $0x5;
	s13 =	simm.s32 $0x8;
	s15 =	simm.s32 $0x0  }
.LBB2_1:
0x23: {  	s16 =	rddreg [dreg:$0x5]  }
0x24: {  	[tilespmem:s3], [sflag:$0xB] =	stream.linear.gather [hbm4b:s16+s3], $0x40, $0x38;
	[tilespmem:$0x18100] =	vst v63  }
0x25: {  	s18 =	rddreg [dreg:$0x6];
	s17 =	simm.s32 $0x40  }
0x26: {  	[tilespmem:s17], [sflag:$0xC] =	stream.linear.gather [hbm4b:s18+s3], $0x40, $0x38;
	[tilespmem:$0x18100] =	vst v63  }
0x27: {  	s19 =	rddreg [dreg:$0x7];
	s21 =	simm.s32 $0x80  }
0x28: {  	[tilespmem:s21], [sflag:$0xD] =	stream.linear.gather [hbm4b:s19+s3], $0x40, $0x38;
	[tilespmem:$0x18100] =	vst v63  }
0x29: {  	s22 =	rddreg [dreg:$0x8];
	s23 =	simm.s32 $0xC0  }
0x2a: {  	[tilespmem:s23], [sflag:$0xE] =	stream.linear.gather [hbm4b:s22+s3], $0x40, $0x38;
	[tilespmem:$0x18100] =	vst v63  }
0x2b: {  	s24 =	rddreg [dreg:$0x9];
	s25 =	simm.s32 $0x100  }
0x2c: {  	[tilespmem:s25], [sflag:$0x9] =	stream.linear.gather [hbm4b:s24+s3], $0x6000, $0x38;
	[tilespmem:$0x18100] =	vst v63  }
0x2d: {  	s17 =	rddreg [dreg:$0xa];
	s18 =	simm.s32 $0x6100;
	s19 =	simm.s32 $0xB  }
0x2e: {  	[tilespmem:s18], [sflag:$0xA] =	stream.linear.gather [hbm4b:s17+s3], $0x6000, $0x38;
	[tilespmem:$0x18100] =	vst v63  }
0x2f: {  	_ =	swait.ge [sflag:s19], $0x40  }
0x30: {  	[sflag:s19] =	ssyncset.done $0x0  }
0x31: {  	s21 =	simm.s32 $0xC;
	[sflag:s19] =	ssyncadd.s32 $0xFFFFFFC0  }
0x32: {  	_ =	swait.ge [sflag:s21], $0x40  }
0x33: {  	[sflag:s21] =	ssyncset.done $0x0  }
0x34: {  	s22 =	simm.s32 $0xD;
	[sflag:s21] =	ssyncadd.s32 $0xFFFFFFC0  }
0x35: {  	_ =	swait.ge [sflag:s22], $0x40  }
0x36: {  	[sflag:s22] =	ssyncset.done $0x0  }
0x37: {  	s23 =	simm.s32 $0xE;
	[sflag:s22] =	ssyncadd.s32 $0xFFFFFFC0  }
0x38: {  	_ =	swait.ge [sflag:s23], $0x40  }
0x39: {  	[sflag:s23] =	ssyncset.done $0x0  }
0x3a: {  	[sflag:s23] =	ssyncadd.s32 $0xFFFFFFC0  }
0x3b: {  	v3 =	vld [tilespmem:$0x0];
	_ =	sdelay $0x4  }
0x3c: {  	v4 =	vshrl.u32 v3, $0x3  }
0x3d: {  	v4 =	vmul.u32 $0x30, v4  }
0x3e: {  	v3 =	vand.u32 $0x7, v3  }
0x3f: {  	v3 =	vor.u32 v3, v4  }
0x40: {  	v4 =	vperm.xlane v3, v0;
	_ =	sdelay $0x1  }
0x41: {  	v4 =	vadd.s32 v1, v4;
	_ =	sdelay $0x3  }
0x42: {  	v3 =	vperm.xlane v3, v2  }
0x43: {  	[tilespmem:s5], [sflag:$0x1] =	stream.indirect_vreg.gather [hbm4b:s1+s3], $0x80, v4, vm0, $0xb8;
	[tilespmem:$0x18100] =	vst v63  }
0x44: {  	s24 =	simm.s32 $0xC900;
	v3 =	vadd.s32 v1, v3  }
0x45: {  	[tilespmem:s24], [sflag:$0x1] =	stream.indirect_vreg.gather [hbm4b:s11+s3], $0x80, v4, vm0, $0xb8;
	[tilespmem:$0x18100] =	vst v63  }
0x46: {  	s25 =	simm.s32 $0xD100  }
0x47: {  	[tilespmem:s25], [sflag:$0x1] =	stream.indirect_vreg.gather [hbm4b:s12+s3], $0x80, v4, vm0, $0xb8;
	[tilespmem:$0x18100] =	vst v63  }
0x48: {  	s17 =	simm.s32 $0xD900  }
0x49: {  	[tilespmem:s17], [sflag:$0x1] =	stream.indirect_vreg.gather [hbm4b:s1+s3], $0x80, v3, vm0, $0xb8;
	[tilespmem:$0x18100] =	vst v63  }
0x4a: {  	s18 =	simm.s32 $0xE100  }
0x4b: {  	[tilespmem:s18], [sflag:$0x1] =	stream.indirect_vreg.gather [hbm4b:s11+s3], $0x80, v3, vm0, $0xb8;
	[tilespmem:$0x18100] =	vst v63  }
0x4c: {  	s19 =	simm.s32 $0xE900  }
0x4d: {  	[tilespmem:s19], [sflag:$0x1] =	stream.indirect_vreg.gather [hbm4b:s12+s3], $0x80, v3, vm0, $0xb8;
	[tilespmem:$0x18100] =	vst v63  }
0x4e: {  	v3 =	vld [tilespmem:$0x40];
	_ =	sdelay $0x4  }
0x4f: {  	v4 =	vshrl.u32 v3, $0x3  }
0x50: {  	v4 =	vmul.u32 $0x30, v4  }
0x51: {  	v3 =	vand.u32 $0x7, v3  }
0x52: {  	v3 =	vor.u32 v3, v4  }
0x53: {  	v4 =	vperm.xlane v3, v0;
	_ =	sdelay $0x1  }
0x54: {  	v4 =	vadd.s32 v1, v4;
	_ =	sdelay $0x3  }
0x55: {  	v3 =	vperm.xlane v3, v2  }
0x56: {  	[tilespmem:s14], [sflag:$0x2] =	stream.indirect_vreg.gather [hbm4b:s1+s3], $0x80, v4, vm0, $0xb8;
	[tilespmem:$0x18100] =	vst v63  }
0x57: {  	s21 =	simm.s32 $0xF900;
	v3 =	vadd.s32 v1, v3  }
0x58: {  	[tilespmem:s21], [sflag:$0x2] =	stream.indirect_vreg.gather [hbm4b:s11+s3], $0x80, v4, vm0, $0xb8;
	[tilespmem:$0x18100] =	vst v63  }
0x59: {  	s22 =	simm.s32 $0x10100  }
0x5a: {  	[tilespmem:s22], [sflag:$0x2] =	stream.indirect_vreg.gather [hbm4b:s12+s3], $0x80, v4, vm0, $0xb8;
	[tilespmem:$0x18100] =	vst v63  }
0x5b: {  	s23 =	simm.s32 $0x10900  }
0x5c: {  	[tilespmem:s23], [sflag:$0x2] =	stream.indirect_vreg.gather [hbm4b:s1+s3], $0x80, v3, vm0, $0xb8;
	[tilespmem:$0x18100] =	vst v63  }
0x5d: {  	s24 =	simm.s32 $0x11100  }
0x5e: {  	[tilespmem:s24], [sflag:$0x2] =	stream.indirect_vreg.gather [hbm4b:s11+s3], $0x80, v3, vm0, $0xb8;
	[tilespmem:$0x18100] =	vst v63  }
0x5f: {  	s25 =	simm.s32 $0x11900  }
0x60: {  	[tilespmem:s25], [sflag:$0x2] =	stream.indirect_vreg.gather [hbm4b:s12+s3], $0x80, v3, vm0, $0xb8;
	[tilespmem:$0x18100] =	vst v63  }
0x61: {  	v3 =	vld [tilespmem:$0x80];
	_ =	sdelay $0x4  }
0x62: {  	v4 =	vshrl.u32 v3, $0x3  }
0x63: {  	v4 =	vmul.u32 $0x30, v4  }
0x64: {  	v3 =	vand.u32 $0x7, v3  }
0x65: {  	v3 =	vor.u32 v3, v4  }
0x66: {  	v4 =	vperm.xlane v3, v0;
	_ =	sdelay $0x1  }
0x67: {  	v4 =	vadd.s32 v1, v4;
	_ =	sdelay $0x3  }
0x68: {  	v3 =	vperm.xlane v3, v2  }
0x69: {  	[tilespmem:s20], [sflag:$0x3] =	stream.indirect_vreg.gather [hbm4b:s1+s3], $0x80, v4, vm0, $0xb8;
	[tilespmem:$0x18100] =	vst v63  }
0x6a: {  	s17 =	simm.s32 $0x12900;
	v3 =	vadd.s32 v1, v3  }
0x6b: {  	[tilespmem:s17], [sflag:$0x3] =	stream.indirect_vreg.gather [hbm4b:s11+s3], $0x80, v4, vm0, $0xb8;
	[tilespmem:$0x18100] =	vst v63  }
0x6c: {  	s18 =	simm.s32 $0x13100  }
0x6d: {  	[tilespmem:s18], [sflag:$0x3] =	stream.indirect_vreg.gather [hbm4b:s12+s3], $0x80, v4, vm0, $0xb8;
	[tilespmem:$0x18100] =	vst v63  }
0x6e: {  	s19 =	simm.s32 $0x13900  }
0x6f: {  	[tilespmem:s19], [sflag:$0x3] =	stream.indirect_vreg.gather [hbm4b:s1+s3], $0x80, v3, vm0, $0xb8;
	[tilespmem:$0x18100] =	vst v63  }
0x70: {  	s21 =	simm.s32 $0x14100  }
0x71: {  	[tilespmem:s21], [sflag:$0x3] =	stream.indirect_vreg.gather [hbm4b:s11+s3], $0x80, v3, vm0, $0xb8;
	[tilespmem:$0x18100] =	vst v63  }
0x72: {  	s22 =	simm.s32 $0x14900;
	s23 =	simm.s32 $0x9  }
0x73: {  	[tilespmem:s22], [sflag:$0x3] =	stream.indirect_vreg.gather [hbm4b:s12+s3], $0x80, v3, vm0, $0xb8;
	[tilespmem:$0x18100] =	vst v63  }
0x74: {  	_ =	swait.ge [sflag:s23], $0x6000  }
0x75: {  	[sflag:s23] =	ssyncset.done $0x0  }
0x76: {  	s16 =	simm.s32 $0x0;
	s24 =	simm.s32 $0x0;
	[sflag:s23] =	ssyncadd.s32 $0xFFFFA000  }
0x77: {  	s17 =	sand.u32 $0x1800, s24;
	s18 =	sand.u32 $0x1C00, s3;
	_ =	swait.ge [sflag:s28], $0x3000  }
0x78: {  	s17 =	sadd.s32 s18, s17;
	s19 =	sand.u32 $0x70, s16;
	[sflag:s28] =	ssyncset.done $0x0  }
0x79: {  	s17 =	sor.u32 s19, s17;
	[sflag:s28] =	ssyncadd.s32 $0xFFFFD000  }
0x7a: {  	v3 =	vld [tilespmem:s17+$0x480]  }
0x7b: {  	v9 =	vld [tilespmem:s17+$0x100]  }
0x7c: {  	v8 =	vld [tilespmem:s17+$0x180]  }
0x7d: {  	v6 =	vld [tilespmem:s17+$0x200]  }
0x7e: {  	v4 =	vld [tilespmem:s17+$0x280]  }
0x7f: {  	v5 =	vld [tilespmem:s17+$0x300]  }
0x80: {  	v7 =	vld [tilespmem:s17+$0x400]  }
0x81: {  	s18 =	simm.s32 $0x0;
	[tilespmem:s17+$0xC480] =	vst.add.f32.msk $0xffff, v3  }
0x82: {  	s25 =	sor.u32 $0xC100, s17;
	s24 =	sor.u32 $0xC180, s17;
	s21 =	sor.u32 $0xC300, s17;
	v3 =	vld [tilespmem:s17+$0x380]  }
0x83: {  	s19 =	sor.u32 $0xC380, s17;
	s22 =	sor.u32 $0xC200, s17;
	s23 =	sor.u32 $0xC280, s17;
	[tilespmem:s25+$0x0] =	vst.add.f32.msk $0xffff, v9  }
.LBB2_2:
0x84: {  	s16 =	sadd.s32 $0x8, s16;
	[tilespmem:s24+$0x0] =	vst.add.f32.msk $0xffff, v8  }
0x85: {  	s24 =	sshll.u32 s16, $0x1C;
	p0 =	slt.u32 s16, $0x2F8;
	[tilespmem:s22+$0x0] =	vst.add.f32.msk $0xffff, v6  }
0x86: {  	s18 =	sadd.s32 $0x40, s18;
	s22 =	sshra.s32 s24, $0x1F;
	[tilespmem:s23+$0x0] =	vst.add.f32.msk $0xffff, v4  }
0x87: {  	s23 =	sand.u32 $0x1C00, s18;
	s22 =	sand.u32 $0x1800, s22;
	[tilespmem:s21+$0x0] =	vst.add.f32.msk $0xffff, v5  }
0x88: {  	s21 =	sand.u32 $0x70, s16;
	s22 =	sadd.s32 s23, s22;
	[tilespmem:s19+$0x0] =	vst.add.f32.msk $0xffff, v3  }
0x89: {  	[tilespmem:s17+$0xC400] =	vst.add.f32.msk $0xffff, v7;
	s17 =	sor.u32 s21, s22  }
0x8a: {  	s25 =	sor.u32 $0xC100, s17;
	s24 =	sor.u32 $0xC180, s17;
	s22 =	sor.u32 $0xC200, s17;
	v3 =	vld [tilespmem:s17+$0x480]  }
0x8b: {  	s23 =	sor.u32 $0xC280, s17;
	s21 =	sor.u32 $0xC300, s17;
	s19 =	sor.u32 $0xC380, s17;
	v9 =	vld [tilespmem:s17+$0x100]  }
0x8c: {  	v8 =	vld [tilespmem:s17+$0x180]  }
0x8d: {  	v6 =	vld [tilespmem:s17+$0x200]  }
0x8e: {  	v4 =	vld [tilespmem:s17+$0x280]  }
.Ltmp0:
0x8f: {  	[tilespmem:s17+$0xC480] =	vst.add.f32.msk $0xffff, v3;
	(pc) =	sbr.rel @p0 .LBB2_2-.Ltmp0, $4  }
0x90: {  	v5 =	vld [tilespmem:s17+$0x300]  }
0x91: {  	v3 =	vld [tilespmem:s17+$0x380]  }
0x92: {  	v7 =	vld [tilespmem:s17+$0x400]  }
0x93: {  	[tilespmem:s25+$0x0] =	vst.add.f32.msk $0xffff, v9  }
0x94: {  	[tilespmem:s24+$0x0] =	vst.add.f32.msk $0xffff, v8  }
0x95: {  	[tilespmem:s22+$0x0] =	vst.add.f32.msk $0xffff, v6  }
0x96: {  	[tilespmem:s23+$0x0] =	vst.add.f32.msk $0xffff, v4  }
0x97: {  	[tilespmem:s21+$0x0] =	vst.add.f32.msk $0xffff, v5  }
0x98: {  	[tilespmem:s19+$0x0] =	vst.add.f32.msk $0xffff, v3  }
0x99: {  	[tilespmem:s17+$0xC400] =	vst.add.f32.msk $0xffff, v7  }
0x9a: {  	v3 =	vld [tilespmem:$0xC0];
	_ =	sdelay $0x4  }
0x9b: {  	v4 =	vshrl.u32 v3, $0x3  }
0x9c: {  	v4 =	vmul.u32 $0x30, v4  }
0x9d: {  	v3 =	vand.u32 $0x7, v3  }
0x9e: {  	v3 =	vor.u32 v3, v4  }
0x9f: {  	v4 =	vperm.xlane v3, v0;
	_ =	sdelay $0x1  }
0xa0: {  	v4 =	vadd.s32 v1, v4;
	_ =	sdelay $0x3  }
0xa1: {  	s16 =	simm.s32 $0x0;
	v3 =	vperm.xlane v3, v2  }
0xa2: {  	[tilespmem:s29], [sflag:$0x4] =	stream.indirect_vreg.gather [hbm4b:s1+s16], $0x80, v4, vm0, $0xb8;
	[tilespmem:$0x18100] =	vst v63  }
0xa3: {  	v3 =	vadd.s32 v1, v3  }
0xa4: {  	[tilespmem:s4], [sflag:$0x4] =	stream.indirect_vreg.gather [hbm4b:s11+s16], $0x80, v4, vm0, $0xb8;
	[tilespmem:$0x18100] =	vst v63  }
0xa5: {  	_ = 	snop  }
0xa6: {  	[tilespmem:s10], [sflag:$0x4] =	stream.indirect_vreg.gather [hbm4b:s12+s16], $0x80, v4, vm0, $0xb8;
	[tilespmem:$0x18100] =	vst v63  }
0xa7: {  	_ = 	snop  }
0xa8: {  	[tilespmem:s31], [sflag:$0x4] =	stream.indirect_vreg.gather [hbm4b:s1+s16], $0x80, v3, vm0, $0xb8;
	[tilespmem:$0x18100] =	vst v63  }
0xa9: {  	_ = 	snop  }
0xaa: {  	[tilespmem:s2], [sflag:$0x4] =	stream.indirect_vreg.gather [hbm4b:s11+s16], $0x80, v3, vm0, $0xb8;
	[tilespmem:$0x18100] =	vst v63  }
0xab: {  	s18 =	simm.s32 $0x0  }
0xac: {  	[tilespmem:s0], [sflag:$0x4] =	stream.indirect_vreg.gather [hbm4b:s12+s16], $0x80, v3, vm0, $0xb8;
	[tilespmem:$0x18100] =	vst v63  }
0xad: {  	s18 =	sand.u32 $0x1800, s18;
	s17 =	rddreg [dreg:$0xb]  }
0xae: {  	[hbm4b:s17+s16] =	stream.linear.scatter [tilespmem:s5], [sflag:$0x5], $0x3000, $0x38;
	[tilespmem:$0x18100] =	vst v63  }
0xaf: {  	s24 =	sand.u32 $0x1C00, s16;
	s17 =	simm.s32 $0x0;
	_ =	swait.ge [sflag:s30], $0x3000  }
0xb0: {  	s18 =	sadd.s32 s24, s18;
	s25 =	sand.u32 $0x70, s17;
	[sflag:s30] =	ssyncset.done $0x0  }
0xb1: {  	s18 =	sor.u32 s25, s18;
	[sflag:s30] =	ssyncadd.s32 $0xFFFFD000  }
0xb2: {  	v3 =	vld [tilespmem:s18+$0x480]  }
0xb3: {  	v9 =	vld [tilespmem:s18+$0x100]  }
0xb4: {  	v8 =	vld [tilespmem:s18+$0x180]  }
0xb5: {  	v7 =	vld [tilespmem:s18+$0x200]  }
0xb6: {  	v5 =	vld [tilespmem:s18+$0x280]  }
0xb7: {  	v6 =	vld [tilespmem:s18+$0x300]  }
0xb8: {  	v4 =	vld [tilespmem:s18+$0x400]  }
0xb9: {  	[tilespmem:s18+$0xF480] =	vst.add.f32.msk $0xffff, v3  }
0xba: {  	v3 =	vld [tilespmem:s18+$0x380]  }
0xbb: {  	[tilespmem:s18+$0xF100] =	vst.add.f32.msk $0xffff, v9  }
.LBB2_4:
0xbc: {  	s17 =	sadd.s32 $0x8, s17;
	[tilespmem:s18+$0xF180] =	vst.add.f32.msk $0xffff, v8  }
0xbd: {  	s19 =	sshll.u32 s17, $0x1C;
	p0 =	slt.u32 s17, $0x2F8;
	[tilespmem:s18+$0xF200] =	vst.add.f32.msk $0xffff, v7  }
0xbe: {  	s16 =	sadd.s32 $0x40, s16;
	s19 =	sshra.s32 s19, $0x1F;
	[tilespmem:s18+$0xF280] =	vst.add.f32.msk $0xffff, v5  }
0xbf: {  	s21 =	sand.u32 $0x1C00, s16;
	s19 =	sand.u32 $0x1800, s19;
	[tilespmem:s18+$0xF300] =	vst.add.f32.msk $0xffff, v6  }
0xc0: {  	s22 =	sand.u32 $0x70, s17;
	s19 =	sadd.s32 s21, s19;
	[tilespmem:s18+$0xF380] =	vst.add.f32.msk $0xffff, v3  }
0xc1: {  	[tilespmem:s18+$0xF400] =	vst.add.f32.msk $0xffff, v4;
	s18 =	sor.u32 s22, s19  }
0xc2: {  	v3 =	vld [tilespmem:s18+$0x480]  }
0xc3: {  	v9 =	vld [tilespmem:s18+$0x100]  }
0xc4: {  	v8 =	vld [tilespmem:s18+$0x180]  }
0xc5: {  	v7 =	vld [tilespmem:s18+$0x200]  }
0xc6: {  	v5 =	vld [tilespmem:s18+$0x280]  }
.Ltmp1:
0xc7: {  	[tilespmem:s18+$0xF480] =	vst.add.f32.msk $0xffff, v3;
	(pc) =	sbr.rel @p0 .LBB2_4-.Ltmp1, $4  }
0xc8: {  	v6 =	vld [tilespmem:s18+$0x300]  }
0xc9: {  	v3 =	vld [tilespmem:s18+$0x380]  }
0xca: {  	v4 =	vld [tilespmem:s18+$0x400]  }
0xcb: {  	[tilespmem:s18+$0xF100] =	vst.add.f32.msk $0xffff, v9  }
0xcc: {  	[tilespmem:s18+$0xF180] =	vst.add.f32.msk $0xffff, v8  }
0xcd: {  	[tilespmem:s18+$0xF200] =	vst.add.f32.msk $0xffff, v7  }
0xce: {  	[tilespmem:s18+$0xF280] =	vst.add.f32.msk $0xffff, v5  }
0xcf: {  	[tilespmem:s18+$0xF300] =	vst.add.f32.msk $0xffff, v6  }
0xd0: {  	[tilespmem:s18+$0xF380] =	vst.add.f32.msk $0xffff, v3  }
0xd1: {  	[tilespmem:s18+$0xF400] =	vst.add.f32.msk $0xffff, v4  }
0xd2: {  	_ =	swait.ge [sflag:s26], $0x3000  }
0xd3: {  	[sflag:s26] =	ssyncset.done $0x0  }
0xd4: {  	[sflag:s26] =	ssyncadd.s32 $0xFFFFD000  }
0xd5: {  	v3 =	vld [tilespmem:$0x10];
	_ =	sdelay $0x4  }
0xd6: {  	v4 =	vshrl.u32 v3, $0x3  }
0xd7: {  	v4 =	vmul.u32 $0x30, v4  }
0xd8: {  	v3 =	vand.u32 $0x7, v3  }
0xd9: {  	v3 =	vor.u32 v3, v4  }
0xda: {  	v4 =	vperm.xlane v3, v0;
	_ =	sdelay $0x1  }
0xdb: {  	v4 =	vadd.s32 v1, v4;
	_ =	sdelay $0x3  }
0xdc: {  	s16 =	simm.s32 $0x0;
	v3 =	vperm.xlane v3, v2  }
0xdd: {  	[tilespmem:s5], [sflag:$0x1] =	stream.indirect_vreg.gather [hbm4b:s1+s16], $0x80, v4, vm0, $0xb8;
	[tilespmem:$0x18100] =	vst v63  }
0xde: {  	s17 =	simm.s32 $0xC900;
	v3 =	vadd.s32 v1, v3  }
0xdf: {  	[tilespmem:s17], [sflag:$0x1] =	stream.indirect_vreg.gather [hbm4b:s11+s16], $0x80, v4, vm0, $0xb8;
	[tilespmem:$0x18100] =	vst v63  }
0xe0: {  	s19 =	simm.s32 $0xD100  }
0xe1: {  	[tilespmem:s19], [sflag:$0x1] =	stream.indirect_vreg.gather [hbm4b:s12+s16], $0x80, v4, vm0, $0xb8;
	[tilespmem:$0x18100] =	vst v63  }
0xe2: {  	s21 =	simm.s32 $0xD900  }
0xe3: {  	[tilespmem:s21], [sflag:$0x1] =	stream.indirect_vreg.gather [hbm4b:s1+s16], $0x80, v3, vm0, $0xb8;
	[tilespmem:$0x18100] =	vst v63  }
0xe4: {  	s22 =	simm.s32 $0xE100  }
0xe5: {  	[tilespmem:s22], [sflag:$0x1] =	stream.indirect_vreg.gather [hbm4b:s11+s16], $0x80, v3, vm0, $0xb8;
	[tilespmem:$0x18100] =	vst v63  }
0xe6: {  	s23 =	simm.s32 $0xE900;
	s25 =	simm.s32 $0x0  }
0xe7: {  	[tilespmem:s23], [sflag:$0x1] =	stream.indirect_vreg.gather [hbm4b:s12+s16], $0x80, v3, vm0, $0xb8;
	[tilespmem:$0x18100] =	vst v63  }
0xe8: {  	s18 =	sand.u32 $0x1800, s25;
	s24 =	rddreg [dreg:$0xc]  }
0xe9: {  	[hbm4b:s24+s16] =	stream.linear.scatter [tilespmem:s14], [sflag:$0x6], $0x3000, $0x38;
	[tilespmem:$0x18100] =	vst v63  }
0xea: {  	s17 =	simm.s32 $0x0;
	s19 =	sand.u32 $0x1C00, s16;
	_ =	swait.ge [sflag:s6], $0x3000  }
0xeb: {  	s18 =	sadd.s32 s19, s18;
	s21 =	sand.u32 $0x70, s17;
	[sflag:s6] =	ssyncset.done $0x0  }
0xec: {  	s18 =	sor.u32 s21, s18;
	[sflag:s6] =	ssyncadd.s32 $0xFFFFD000  }
0xed: {  	v3 =	vld [tilespmem:s18+$0x480]  }
0xee: {  	v9 =	vld [tilespmem:s18+$0x100]  }
0xef: {  	v8 =	vld [tilespmem:s18+$0x180]  }
0xf0: {  	v7 =	vld [tilespmem:s18+$0x200]  }
0xf1: {  	v5 =	vld [tilespmem:s18+$0x280]  }
0xf2: {  	v6 =	vld [tilespmem:s18+$0x300]  }
0xf3: {  	v4 =	vld [tilespmem:s18+$0x400]  }
0xf4: {  	[tilespmem:s18+$0x12480] =	vst.add.f32.msk $0xffff, v3  }
0xf5: {  	v3 =	vld [tilespmem:s18+$0x380]  }
0xf6: {  	[tilespmem:s18+$0x12100] =	vst.add.f32.msk $0xffff, v9  }
.LBB2_6:
0xf7: {  	s17 =	sadd.s32 $0x8, s17;
	[tilespmem:s18+$0x12180] =	vst.add.f32.msk $0xffff, v8  }
0xf8: {  	s19 =	sshll.u32 s17, $0x1C;
	p0 =	slt.u32 s17, $0x2F8;
	[tilespmem:s18+$0x12200] =	vst.add.f32.msk $0xffff, v7  }
0xf9: {  	s16 =	sadd.s32 $0x40, s16;
	s19 =	sshra.s32 s19, $0x1F;
	[tilespmem:s18+$0x12280] =	vst.add.f32.msk $0xffff, v5  }
0xfa: {  	s21 =	sand.u32 $0x1C00, s16;
	s19 =	sand.u32 $0x1800, s19;
	[tilespmem:s18+$0x12300] =	vst.add.f32.msk $0xffff, v6  }
0xfb: {  	s22 =	sand.u32 $0x70, s17;
	s19 =	sadd.s32 s21, s19;
	[tilespmem:s18+$0x12380] =	vst.add.f32.msk $0xffff, v3  }
0xfc: {  	[tilespmem:s18+$0x12400] =	vst.add.f32.msk $0xffff, v4;
	s18 =	sor.u32 s22, s19  }
0xfd: {  	v3 =	vld [tilespmem:s18+$0x480]  }
0xfe: {  	v9 =	vld [tilespmem:s18+$0x100]  }
0xff: {  	v8 =	vld [tilespmem:s18+$0x180]  }
0x100: {  	v7 =	vld [tilespmem:s18+$0x200]  }
0x101: {  	v5 =	vld [tilespmem:s18+$0x280]  }
.Ltmp2:
0x102: {  	[tilespmem:s18+$0x12480] =	vst.add.f32.msk $0xffff, v3;
	(pc) =	sbr.rel @p0 .LBB2_6-.Ltmp2, $4  }
0x103: {  	v6 =	vld [tilespmem:s18+$0x300]  }
0x104: {  	v3 =	vld [tilespmem:s18+$0x380]  }
0x105: {  	v4 =	vld [tilespmem:s18+$0x400]  }
0x106: {  	[tilespmem:s18+$0x12100] =	vst.add.f32.msk $0xffff, v9  }
0x107: {  	[tilespmem:s18+$0x12180] =	vst.add.f32.msk $0xffff, v8  }
0x108: {  	[tilespmem:s18+$0x12200] =	vst.add.f32.msk $0xffff, v7  }
0x109: {  	[tilespmem:s18+$0x12280] =	vst.add.f32.msk $0xffff, v5  }
0x10a: {  	[tilespmem:s18+$0x12300] =	vst.add.f32.msk $0xffff, v6  }
0x10b: {  	[tilespmem:s18+$0x12380] =	vst.add.f32.msk $0xffff, v3  }
0x10c: {  	[tilespmem:s18+$0x12400] =	vst.add.f32.msk $0xffff, v4  }
0x10d: {  	_ =	swait.ge [sflag:s7], $0x3000  }
0x10e: {  	[sflag:s7] =	ssyncset.done $0x0  }
0x10f: {  	[sflag:s7] =	ssyncadd.s32 $0xFFFFD000  }
0x110: {  	v3 =	vld [tilespmem:$0x50];
	_ =	sdelay $0x4  }
0x111: {  	v4 =	vshrl.u32 v3, $0x3  }
0x112: {  	v4 =	vmul.u32 $0x30, v4  }
0x113: {  	v3 =	vand.u32 $0x7, v3  }
0x114: {  	v3 =	vor.u32 v3, v4  }
0x115: {  	v4 =	vperm.xlane v3, v0;
	_ =	sdelay $0x1  }
0x116: {  	v4 =	vadd.s32 v1, v4;
	_ =	sdelay $0x3  }
0x117: {  	s16 =	simm.s32 $0x0;
	v3 =	vperm.xlane v3, v2  }
0x118: {  	[tilespmem:s14], [sflag:$0x2] =	stream.indirect_vreg.gather [hbm4b:s1+s16], $0x80, v4, vm0, $0xb8;
	[tilespmem:$0x18100] =	vst v63  }
0x119: {  	s17 =	simm.s32 $0xF900;
	v3 =	vadd.s32 v1, v3  }
0x11a: {  	[tilespmem:s17], [sflag:$0x2] =	stream.indirect_vreg.gather [hbm4b:s11+s16], $0x80, v4, vm0, $0xb8;
	[tilespmem:$0x18100] =	vst v63  }
0x11b: {  	s19 =	simm.s32 $0x10100  }
0x11c: {  	[tilespmem:s19], [sflag:$0x2] =	stream.indirect_vreg.gather [hbm4b:s12+s16], $0x80, v4, vm0, $0xb8;
	[tilespmem:$0x18100] =	vst v63  }
0x11d: {  	s21 =	simm.s32 $0x10900  }
0x11e: {  	[tilespmem:s21], [sflag:$0x2] =	stream.indirect_vreg.gather [hbm4b:s1+s16], $0x80, v3, vm0, $0xb8;
	[tilespmem:$0x18100] =	vst v63  }
0x11f: {  	s22 =	simm.s32 $0x11100  }
0x120: {  	[tilespmem:s22], [sflag:$0x2] =	stream.indirect_vreg.gather [hbm4b:s11+s16], $0x80, v3, vm0, $0xb8;
	[tilespmem:$0x18100] =	vst v63  }
0x121: {  	s23 =	simm.s32 $0x11900;
	s25 =	simm.s32 $0x0  }
0x122: {  	[tilespmem:s23], [sflag:$0x2] =	stream.indirect_vreg.gather [hbm4b:s12+s16], $0x80, v3, vm0, $0xb8;
	[tilespmem:$0x18100] =	vst v63  }
0x123: {  	s18 =	sand.u32 $0x1800, s25;
	s24 =	rddreg [dreg:$0xd]  }
0x124: {  	[hbm4b:s24+s16] =	stream.linear.scatter [tilespmem:s20], [sflag:$0x7], $0x3000, $0x38;
	[tilespmem:$0x18100] =	vst v63  }
0x125: {  	s17 =	simm.s32 $0x0;
	s19 =	sand.u32 $0x1C00, s16;
	_ =	swait.ge [sflag:s8], $0x3000  }
0x126: {  	s18 =	sadd.s32 s19, s18;
	s21 =	sand.u32 $0x70, s17;
	[sflag:s8] =	ssyncset.done $0x0  }
0x127: {  	s18 =	sor.u32 s21, s18;
	[sflag:s8] =	ssyncadd.s32 $0xFFFFD000  }
0x128: {  	v3 =	vld [tilespmem:s18+$0x480]  }
0x129: {  	v9 =	vld [tilespmem:s18+$0x100]  }
0x12a: {  	v8 =	vld [tilespmem:s18+$0x180]  }
0x12b: {  	v7 =	vld [tilespmem:s18+$0x200]  }
0x12c: {  	v5 =	vld [tilespmem:s18+$0x280]  }
0x12d: {  	v6 =	vld [tilespmem:s18+$0x300]  }
0x12e: {  	v4 =	vld [tilespmem:s18+$0x400]  }
0x12f: {  	[tilespmem:s18+$0x15480] =	vst.add.f32.msk $0xffff, v3  }
0x130: {  	v3 =	vld [tilespmem:s18+$0x380]  }
0x131: {  	[tilespmem:s18+$0x15100] =	vst.add.f32.msk $0xffff, v9  }
.LBB2_8:
0x132: {  	s17 =	sadd.s32 $0x8, s17;
	[tilespmem:s18+$0x15180] =	vst.add.f32.msk $0xffff, v8  }
0x133: {  	s19 =	sshll.u32 s17, $0x1C;
	p0 =	slt.u32 s17, $0x2F8;
	[tilespmem:s18+$0x15200] =	vst.add.f32.msk $0xffff, v7  }
0x134: {  	s16 =	sadd.s32 $0x40, s16;
	s19 =	sshra.s32 s19, $0x1F;
	[tilespmem:s18+$0x15280] =	vst.add.f32.msk $0xffff, v5  }
0x135: {  	s21 =	sand.u32 $0x1C00, s16;
	s19 =	sand.u32 $0x1800, s19;
	[tilespmem:s18+$0x15300] =	vst.add.f32.msk $0xffff, v6  }
0x136: {  	s22 =	sand.u32 $0x70, s17;
	s19 =	sadd.s32 s21, s19;
	[tilespmem:s18+$0x15380] =	vst.add.f32.msk $0xffff, v3  }
0x137: {  	[tilespmem:s18+$0x15400] =	vst.add.f32.msk $0xffff, v4;
	s18 =	sor.u32 s22, s19  }
0x138: {  	v3 =	vld [tilespmem:s18+$0x480]  }
0x139: {  	v9 =	vld [tilespmem:s18+$0x100]  }
0x13a: {  	v8 =	vld [tilespmem:s18+$0x180]  }
0x13b: {  	v7 =	vld [tilespmem:s18+$0x200]  }
0x13c: {  	v5 =	vld [tilespmem:s18+$0x280]  }
.Ltmp3:
0x13d: {  	[tilespmem:s18+$0x15480] =	vst.add.f32.msk $0xffff, v3;
	(pc) =	sbr.rel @p0 .LBB2_8-.Ltmp3, $4  }
0x13e: {  	v6 =	vld [tilespmem:s18+$0x300]  }
0x13f: {  	v3 =	vld [tilespmem:s18+$0x380]  }
0x140: {  	v4 =	vld [tilespmem:s18+$0x400]  }
0x141: {  	[tilespmem:s18+$0x15100] =	vst.add.f32.msk $0xffff, v9  }
0x142: {  	[tilespmem:s18+$0x15180] =	vst.add.f32.msk $0xffff, v8  }
0x143: {  	[tilespmem:s18+$0x15200] =	vst.add.f32.msk $0xffff, v7  }
0x144: {  	[tilespmem:s18+$0x15280] =	vst.add.f32.msk $0xffff, v5  }
0x145: {  	[tilespmem:s18+$0x15300] =	vst.add.f32.msk $0xffff, v6  }
0x146: {  	[tilespmem:s18+$0x15380] =	vst.add.f32.msk $0xffff, v3  }
0x147: {  	[tilespmem:s18+$0x15400] =	vst.add.f32.msk $0xffff, v4  }
0x148: {  	_ =	swait.ge [sflag:s9], $0x3000  }
0x149: {  	[sflag:s9] =	ssyncset.done $0x0  }
0x14a: {  	[sflag:s9] =	ssyncadd.s32 $0xFFFFD000  }
0x14b: {  	v3 =	vld [tilespmem:$0x90];
	_ =	sdelay $0x4  }
0x14c: {  	v4 =	vshrl.u32 v3, $0x3  }
0x14d: {  	v4 =	vmul.u32 $0x30, v4  }
0x14e: {  	v3 =	vand.u32 $0x7, v3  }
0x14f: {  	v3 =	vor.u32 v3, v4  }
0x150: {  	v4 =	vperm.xlane v3, v0;
	_ =	sdelay $0x1  }
0x151: {  	v4 =	vadd.s32 v1, v4;
	_ =	sdelay $0x3  }
0x152: {  	s16 =	simm.s32 $0x0;
	v3 =	vperm.xlane v3, v2  }
0x153: {  	[tilespmem:s20], [sflag:$0x3] =	stream.indirect_vreg.gather [hbm4b:s1+s16], $0x80, v4, vm0, $0xb8;
	[tilespmem:$0x18100] =	vst v63  }
0x154: {  	s17 =	simm.s32 $0x12900;
	v3 =	vadd.s32 v1, v3  }
0x155: {  	[tilespmem:s17], [sflag:$0x3] =	stream.indirect_vreg.gather [hbm4b:s11+s16], $0x80, v4, vm0, $0xb8;
	[tilespmem:$0x18100] =	vst v63  }
0x156: {  	s19 =	simm.s32 $0x13100  }
0x157: {  	[tilespmem:s19], [sflag:$0x3] =	stream.indirect_vreg.gather [hbm4b:s12+s16], $0x80, v4, vm0, $0xb8;
	[tilespmem:$0x18100] =	vst v63  }
0x158: {  	s21 =	simm.s32 $0x13900  }
0x159: {  	[tilespmem:s21], [sflag:$0x3] =	stream.indirect_vreg.gather [hbm4b:s1+s16], $0x80, v3, vm0, $0xb8;
	[tilespmem:$0x18100] =	vst v63  }
0x15a: {  	s22 =	simm.s32 $0x14100  }
0x15b: {  	[tilespmem:s22], [sflag:$0x3] =	stream.indirect_vreg.gather [hbm4b:s11+s16], $0x80, v3, vm0, $0xb8;
	[tilespmem:$0x18100] =	vst v63  }
0x15c: {  	s23 =	simm.s32 $0x14900;
	s25 =	simm.s32 $0x0  }
0x15d: {  	[tilespmem:s23], [sflag:$0x3] =	stream.indirect_vreg.gather [hbm4b:s12+s16], $0x80, v3, vm0, $0xb8;
	[tilespmem:$0x18100] =	vst v63  }
0x15e: {  	s18 =	sand.u32 $0x1800, s25;
	s24 =	rddreg [dreg:$0xe]  }
0x15f: {  	[hbm4b:s24+s16] =	stream.linear.scatter [tilespmem:s29], [sflag:$0x8], $0x3000, $0x38;
	[tilespmem:$0x18100] =	vst v63  }
0x160: {  	s17 =	simm.s32 $0x0;
	s19 =	sand.u32 $0x1C00, s16;
	_ =	swait.ge [sflag:s28], $0x3000  }
0x161: {  	s18 =	sadd.s32 s19, s18;
	s21 =	sand.u32 $0x70, s17;
	[sflag:s28] =	ssyncset.done $0x0  }
0x162: {  	s18 =	sor.u32 s21, s18;
	[sflag:s28] =	ssyncadd.s32 $0xFFFFD000  }
0x163: {  	v3 =	vld [tilespmem:s18+$0x3480]  }
0x164: {  	v9 =	vld [tilespmem:s18+$0x3100]  }
0x165: {  	v8 =	vld [tilespmem:s18+$0x3180]  }
0x166: {  	v6 =	vld [tilespmem:s18+$0x3200]  }
0x167: {  	v4 =	vld [tilespmem:s18+$0x3280]  }
0x168: {  	v5 =	vld [tilespmem:s18+$0x3300]  }
0x169: {  	v7 =	vld [tilespmem:s18+$0x3400]  }
0x16a: {  	[tilespmem:s18+$0xC480] =	vst.add.f32.msk $0xffff, v3  }
0x16b: {  	s25 =	sor.u32 $0xC100, s18;
	s22 =	sor.u32 $0xC200, s18;
	s21 =	sor.u32 $0xC300, s18;
	v3 =	vld [tilespmem:s18+$0x3380]  }
0x16c: {  	s19 =	sor.u32 $0xC380, s18;
	s23 =	sor.u32 $0xC280, s18;
	s24 =	sor.u32 $0xC180, s18;
	[tilespmem:s25+$0x0] =	vst.add.f32.msk $0xffff, v9  }
.LBB2_10:
0x16d: {  	s17 =	sadd.s32 $0x8, s17;
	[tilespmem:s24+$0x0] =	vst.add.f32.msk $0xffff, v8  }
0x16e: {  	s24 =	sshll.u32 s17, $0x1C;
	p0 =	slt.u32 s17, $0x2F8;
	[tilespmem:s22+$0x0] =	vst.add.f32.msk $0xffff, v6  }
0x16f: {  	s16 =	sadd.s32 $0x40, s16;
	s22 =	sshra.s32 s24, $0x1F;
	[tilespmem:s23+$0x0] =	vst.add.f32.msk $0xffff, v4  }
0x170: {  	s23 =	sand.u32 $0x1C00, s16;
	s22 =	sand.u32 $0x1800, s22;
	[tilespmem:s21+$0x0] =	vst.add.f32.msk $0xffff, v5  }
0x171: {  	s21 =	sand.u32 $0x70, s17;
	s22 =	sadd.s32 s23, s22;
	[tilespmem:s19+$0x0] =	vst.add.f32.msk $0xffff, v3  }
0x172: {  	[tilespmem:s18+$0xC400] =	vst.add.f32.msk $0xffff, v7;
	s18 =	sor.u32 s21, s22  }
0x173: {  	s25 =	sor.u32 $0xC100, s18;
	s24 =	sor.u32 $0xC180, s18;
	s22 =	sor.u32 $0xC200, s18;
	v3 =	vld [tilespmem:s18+$0x3480]  }
0x174: {  	s23 =	sor.u32 $0xC280, s18;
	s21 =	sor.u32 $0xC300, s18;
	s19 =	sor.u32 $0xC380, s18;
	v9 =	vld [tilespmem:s18+$0x3100]  }
0x175: {  	v8 =	vld [tilespmem:s18+$0x3180]  }
0x176: {  	v6 =	vld [tilespmem:s18+$0x3200]  }
0x177: {  	v4 =	vld [tilespmem:s18+$0x3280]  }
.Ltmp4:
0x178: {  	[tilespmem:s18+$0xC480] =	vst.add.f32.msk $0xffff, v3;
	(pc) =	sbr.rel @p0 .LBB2_10-.Ltmp4, $4  }
0x179: {  	v5 =	vld [tilespmem:s18+$0x3300]  }
0x17a: {  	v3 =	vld [tilespmem:s18+$0x3380]  }
0x17b: {  	v7 =	vld [tilespmem:s18+$0x3400]  }
0x17c: {  	[tilespmem:s25+$0x0] =	vst.add.f32.msk $0xffff, v9  }
0x17d: {  	[tilespmem:s24+$0x0] =	vst.add.f32.msk $0xffff, v8  }
0x17e: {  	[tilespmem:s22+$0x0] =	vst.add.f32.msk $0xffff, v6  }
0x17f: {  	[tilespmem:s23+$0x0] =	vst.add.f32.msk $0xffff, v4  }
0x180: {  	[tilespmem:s21+$0x0] =	vst.add.f32.msk $0xffff, v5  }
0x181: {  	[tilespmem:s19+$0x0] =	vst.add.f32.msk $0xffff, v3  }
0x182: {  	[tilespmem:s18+$0xC400] =	vst.add.f32.msk $0xffff, v7  }
0x183: {  	_ =	swait.ge [sflag:s13], $0x3000  }
0x184: {  	[sflag:s13] =	ssyncset.done $0x0  }
0x185: {  	[sflag:s13] =	ssyncadd.s32 $0xFFFFD000  }
0x186: {  	v3 =	vld [tilespmem:$0xD0];
	_ =	sdelay $0x4  }
0x187: {  	v4 =	vshrl.u32 v3, $0x3  }
0x188: {  	v4 =	vmul.u32 $0x30, v4  }
0x189: {  	v3 =	vand.u32 $0x7, v3  }
0x18a: {  	v3 =	vor.u32 v3, v4  }
0x18b: {  	v4 =	vperm.xlane v3, v0;
	_ =	sdelay $0x1  }
0x18c: {  	v4 =	vadd.s32 v1, v4;
	_ =	sdelay $0x3  }
0x18d: {  	s16 =	simm.s32 $0x0;
	v3 =	vperm.xlane v3, v2  }
0x18e: {  	[tilespmem:s29], [sflag:$0x4] =	stream.indirect_vreg.gather [hbm4b:s1+s16], $0x80, v4, vm0, $0xb8;
	[tilespmem:$0x18100] =	vst v63  }
0x18f: {  	v3 =	vadd.s32 v1, v3  }
0x190: {  	[tilespmem:s4], [sflag:$0x4] =	stream.indirect_vreg.gather [hbm4b:s11+s16], $0x80, v4, vm0, $0xb8;
	[tilespmem:$0x18100] =	vst v63  }
0x191: {  	_ = 	snop  }
0x192: {  	[tilespmem:s10], [sflag:$0x4] =	stream.indirect_vreg.gather [hbm4b:s12+s16], $0x80, v4, vm0, $0xb8;
	[tilespmem:$0x18100] =	vst v63  }
0x193: {  	_ = 	snop  }
0x194: {  	[tilespmem:s31], [sflag:$0x4] =	stream.indirect_vreg.gather [hbm4b:s1+s16], $0x80, v3, vm0, $0xb8;
	[tilespmem:$0x18100] =	vst v63  }
0x195: {  	_ = 	snop  }
0x196: {  	[tilespmem:s2], [sflag:$0x4] =	stream.indirect_vreg.gather [hbm4b:s11+s16], $0x80, v3, vm0, $0xb8;
	[tilespmem:$0x18100] =	vst v63  }
0x197: {  	_ = 	snop  }
0x198: {  	[tilespmem:s0], [sflag:$0x4] =	stream.indirect_vreg.gather [hbm4b:s12+s16], $0x80, v3, vm0, $0xb8;
	[tilespmem:$0x18100] =	vst v63  }
0x199: {  	s23 =	simm.s32 $0x0;
	s24 =	sand.u32 $0x1C00, s16;
	s17 =	rddreg [dreg:$0xf]  }
0x19a: {  	[hbm4b:s17+s16] =	stream.linear.scatter [tilespmem:s5], [sflag:$0x5], $0x3000, $0x38;
	[tilespmem:$0x18100] =	vst v63  }
0x19b: {  	s18 =	sand.u32 $0x1800, s23;
	s17 =	simm.s32 $0x0;
	_ =	swait.ge [sflag:s30], $0x3000  }
0x19c: {  	s18 =	sadd.s32 s24, s18;
	s25 =	sand.u32 $0x70, s17;
	[sflag:s30] =	ssyncset.done $0x0  }
0x19d: {  	s18 =	sor.u32 s25, s18;
	[sflag:s30] =	ssyncadd.s32 $0xFFFFD000  }
0x19e: {  	v3 =	vld [tilespmem:s18+$0x3480]  }
0x19f: {  	v9 =	vld [tilespmem:s18+$0x3100]  }
0x1a0: {  	v8 =	vld [tilespmem:s18+$0x3180]  }
0x1a1: {  	v7 =	vld [tilespmem:s18+$0x3200]  }
0x1a2: {  	v5 =	vld [tilespmem:s18+$0x3280]  }
0x1a3: {  	v6 =	vld [tilespmem:s18+$0x3300]  }
0x1a4: {  	v4 =	vld [tilespmem:s18+$0x3400]  }
0x1a5: {  	[tilespmem:s18+$0xF480] =	vst.add.f32.msk $0xffff, v3  }
0x1a6: {  	v3 =	vld [tilespmem:s18+$0x3380]  }
0x1a7: {  	[tilespmem:s18+$0xF100] =	vst.add.f32.msk $0xffff, v9  }
.LBB2_12:
0x1a8: {  	s17 =	sadd.s32 $0x8, s17;
	[tilespmem:s18+$0xF180] =	vst.add.f32.msk $0xffff, v8  }
0x1a9: {  	s19 =	sshll.u32 s17, $0x1C;
	p0 =	slt.u32 s17, $0x2F8;
	[tilespmem:s18+$0xF200] =	vst.add.f32.msk $0xffff, v7  }
0x1aa: {  	s16 =	sadd.s32 $0x40, s16;
	s19 =	sshra.s32 s19, $0x1F;
	[tilespmem:s18+$0xF280] =	vst.add.f32.msk $0xffff, v5  }
0x1ab: {  	s21 =	sand.u32 $0x1C00, s16;
	s19 =	sand.u32 $0x1800, s19;
	[tilespmem:s18+$0xF300] =	vst.add.f32.msk $0xffff, v6  }
0x1ac: {  	s22 =	sand.u32 $0x70, s17;
	s19 =	sadd.s32 s21, s19;
	[tilespmem:s18+$0xF380] =	vst.add.f32.msk $0xffff, v3  }
0x1ad: {  	[tilespmem:s18+$0xF400] =	vst.add.f32.msk $0xffff, v4;
	s18 =	sor.u32 s22, s19  }
0x1ae: {  	v3 =	vld [tilespmem:s18+$0x3480]  }
0x1af: {  	v9 =	vld [tilespmem:s18+$0x3100]  }
0x1b0: {  	v8 =	vld [tilespmem:s18+$0x3180]  }
0x1b1: {  	v7 =	vld [tilespmem:s18+$0x3200]  }
0x1b2: {  	v5 =	vld [tilespmem:s18+$0x3280]  }
.Ltmp5:
0x1b3: {  	[tilespmem:s18+$0xF480] =	vst.add.f32.msk $0xffff, v3;
	(pc) =	sbr.rel @p0 .LBB2_12-.Ltmp5, $4  }
0x1b4: {  	v6 =	vld [tilespmem:s18+$0x3300]  }
0x1b5: {  	v3 =	vld [tilespmem:s18+$0x3380]  }
0x1b6: {  	v4 =	vld [tilespmem:s18+$0x3400]  }
0x1b7: {  	[tilespmem:s18+$0xF100] =	vst.add.f32.msk $0xffff, v9  }
0x1b8: {  	[tilespmem:s18+$0xF180] =	vst.add.f32.msk $0xffff, v8  }
0x1b9: {  	[tilespmem:s18+$0xF200] =	vst.add.f32.msk $0xffff, v7  }
0x1ba: {  	[tilespmem:s18+$0xF280] =	vst.add.f32.msk $0xffff, v5  }
0x1bb: {  	[tilespmem:s18+$0xF300] =	vst.add.f32.msk $0xffff, v6  }
0x1bc: {  	[tilespmem:s18+$0xF380] =	vst.add.f32.msk $0xffff, v3  }
0x1bd: {  	[tilespmem:s18+$0xF400] =	vst.add.f32.msk $0xffff, v4  }
0x1be: {  	_ =	swait.ge [sflag:s26], $0x3000  }
0x1bf: {  	[sflag:s26] =	ssyncset.done $0x0  }
0x1c0: {  	[sflag:s26] =	ssyncadd.s32 $0xFFFFD000  }
0x1c1: {  	v3 =	vld [tilespmem:$0x20];
	_ =	sdelay $0x4  }
0x1c2: {  	v4 =	vshrl.u32 v3, $0x3  }
0x1c3: {  	v4 =	vmul.u32 $0x30, v4  }
0x1c4: {  	v3 =	vand.u32 $0x7, v3  }
0x1c5: {  	v3 =	vor.u32 v3, v4  }
0x1c6: {  	v4 =	vperm.xlane v3, v0;
	_ =	sdelay $0x1  }
0x1c7: {  	v4 =	vadd.s32 v1, v4;
	_ =	sdelay $0x3  }
0x1c8: {  	s16 =	simm.s32 $0x0;
	v3 =	vperm.xlane v3, v2  }
0x1c9: {  	[tilespmem:s5], [sflag:$0x1] =	stream.indirect_vreg.gather [hbm4b:s1+s16], $0x80, v4, vm0, $0xb8;
	[tilespmem:$0x18100] =	vst v63  }
0x1ca: {  	s17 =	simm.s32 $0xC900;
	v3 =	vadd.s32 v1, v3  }
0x1cb: {  	[tilespmem:s17], [sflag:$0x1] =	stream.indirect_vreg.gather [hbm4b:s11+s16], $0x80, v4, vm0, $0xb8;
	[tilespmem:$0x18100] =	vst v63  }
0x1cc: {  	s19 =	simm.s32 $0xD100  }
0x1cd: {  	[tilespmem:s19], [sflag:$0x1] =	stream.indirect_vreg.gather [hbm4b:s12+s16], $0x80, v4, vm0, $0xb8;
	[tilespmem:$0x18100] =	vst v63  }
0x1ce: {  	s21 =	simm.s32 $0xD900  }
0x1cf: {  	[tilespmem:s21], [sflag:$0x1] =	stream.indirect_vreg.gather [hbm4b:s1+s16], $0x80, v3, vm0, $0xb8;
	[tilespmem:$0x18100] =	vst v63  }
0x1d0: {  	s22 =	simm.s32 $0xE100  }
0x1d1: {  	[tilespmem:s22], [sflag:$0x1] =	stream.indirect_vreg.gather [hbm4b:s11+s16], $0x80, v3, vm0, $0xb8;
	[tilespmem:$0x18100] =	vst v63  }
0x1d2: {  	s23 =	simm.s32 $0xE900;
	s25 =	simm.s32 $0x0  }
0x1d3: {  	[tilespmem:s23], [sflag:$0x1] =	stream.indirect_vreg.gather [hbm4b:s12+s16], $0x80, v3, vm0, $0xb8;
	[tilespmem:$0x18100] =	vst v63  }
0x1d4: {  	s18 =	sand.u32 $0x1800, s25;
	s24 =	rddreg [dreg:$0x10]  }
0x1d5: {  	[hbm4b:s24+s16] =	stream.linear.scatter [tilespmem:s14], [sflag:$0x6], $0x3000, $0x38;
	[tilespmem:$0x18100] =	vst v63  }
0x1d6: {  	s17 =	simm.s32 $0x0;
	s19 =	sand.u32 $0x1C00, s16;
	_ =	swait.ge [sflag:s6], $0x3000  }
0x1d7: {  	s18 =	sadd.s32 s19, s18;
	s21 =	sand.u32 $0x70, s17;
	[sflag:s6] =	ssyncset.done $0x0  }
0x1d8: {  	s23 =	sor.u32 s21, s18;
	[sflag:s6] =	ssyncadd.s32 $0xFFFFD000  }
0x1d9: {  	v5 =	vld [tilespmem:s23+$0x3480]  }
0x1da: {  	v9 =	vld [tilespmem:s23+$0x3100]  }
0x1db: {  	v6 =	vld [tilespmem:s23+$0x3180]  }
0x1dc: {  	v3 =	vld [tilespmem:s23+$0x3200]  }
0x1dd: {  	v4 =	vld [tilespmem:s23+$0x3280]  }
0x1de: {  	v8 =	vld [tilespmem:s23+$0x3300]  }
0x1df: {  	s18 =	sadd.s32 $0x12100, s23;
	v7 =	vld [tilespmem:s23+$0x3380]  }
0x1e0: {  	[tilespmem:s18+$0x380] =	vst.add.f32.msk $0xffff, v5  }
0x1e1: {  	v5 =	vld [tilespmem:s23+$0x3400]  }
0x1e2: {  	s22 =	sor.u32 $0x80, s18;
	s21 =	sor.u32 $0x200, s18;
	s19 =	sor.u32 $0x280, s18;
	[tilespmem:s23+$0x12100] =	vst.add.f32.msk $0xffff, v9  }
.LBB2_14:
0x1e3: {  	s17 =	sadd.s32 $0x8, s17;
	[tilespmem:s22+$0x0] =	vst.add.f32.msk $0xffff, v6  }
0x1e4: {  	s22 =	sshll.u32 s17, $0x1C;
	p0 =	slt.u32 s17, $0x2F8;
	[tilespmem:s18+$0x100] =	vst.add.f32.msk $0xffff, v3  }
0x1e5: {  	s16 =	sadd.s32 $0x40, s16;
	s22 =	sshra.s32 s22, $0x1F;
	[tilespmem:s18+$0x180] =	vst.add.f32.msk $0xffff, v4  }
0x1e6: {  	s23 =	sand.u32 $0x1C00, s16;
	s22 =	sand.u32 $0x1800, s22;
	[tilespmem:s21+$0x0] =	vst.add.f32.msk $0xffff, v8  }
0x1e7: {  	s21 =	sand.u32 $0x70, s17;
	s22 =	sadd.s32 s23, s22;
	[tilespmem:s19+$0x0] =	vst.add.f32.msk $0xffff, v7  }
0x1e8: {  	s23 =	sor.u32 s21, s22;
	[tilespmem:s18+$0x300] =	vst.add.f32.msk $0xffff, v5  }
0x1e9: {  	v5 =	vld [tilespmem:s23+$0x3480]  }
0x1ea: {  	v9 =	vld [tilespmem:s23+$0x3100]  }
0x1eb: {  	v6 =	vld [tilespmem:s23+$0x3180]  }
0x1ec: {  	s18 =	sadd.s32 $0x12100, s23;
	v3 =	vld [tilespmem:s23+$0x3200]  }
0x1ed: {  	s22 =	sor.u32 $0x80, s18;
	v4 =	vld [tilespmem:s23+$0x3280]  }
.Ltmp6:
0x1ee: {  	s21 =	sor.u32 $0x200, s18;
	s19 =	sor.u32 $0x280, s18;
	[tilespmem:s18+$0x380] =	vst.add.f32.msk $0xffff, v5;
	(pc) =	sbr.rel @p0 .LBB2_14-.Ltmp6, $4  }
0x1ef: {  	v8 =	vld [tilespmem:s23+$0x3300]  }
0x1f0: {  	v7 =	vld [tilespmem:s23+$0x3380]  }
0x1f1: {  	v5 =	vld [tilespmem:s23+$0x3400]  }
0x1f2: {  	[tilespmem:s23+$0x12100] =	vst.add.f32.msk $0xffff, v9  }
0x1f3: {  	[tilespmem:s22+$0x0] =	vst.add.f32.msk $0xffff, v6  }
0x1f4: {  	[tilespmem:s18+$0x100] =	vst.add.f32.msk $0xffff, v3  }
0x1f5: {  	[tilespmem:s18+$0x180] =	vst.add.f32.msk $0xffff, v4  }
0x1f6: {  	[tilespmem:s21+$0x0] =	vst.add.f32.msk $0xffff, v8  }
0x1f7: {  	[tilespmem:s19+$0x0] =	vst.add.f32.msk $0xffff, v7  }
0x1f8: {  	[tilespmem:s18+$0x300] =	vst.add.f32.msk $0xffff, v5  }
0x1f9: {  	_ =	swait.ge [sflag:s7], $0x3000  }
0x1fa: {  	[sflag:s7] =	ssyncset.done $0x0  }
0x1fb: {  	[sflag:s7] =	ssyncadd.s32 $0xFFFFD000  }
0x1fc: {  	v3 =	vld [tilespmem:$0x60];
	_ =	sdelay $0x4  }
0x1fd: {  	v4 =	vshrl.u32 v3, $0x3  }
0x1fe: {  	v4 =	vmul.u32 $0x30, v4  }
0x1ff: {  	v3 =	vand.u32 $0x7, v3  }
0x200: {  	v3 =	vor.u32 v3, v4  }
0x201: {  	v4 =	vperm.xlane v3, v0;
	_ =	sdelay $0x1  }
0x202: {  	v4 =	vadd.s32 v1, v4;
	_ =	sdelay $0x3  }
0x203: {  	s16 =	simm.s32 $0x0;
	v3 =	vperm.xlane v3, v2  }
0x204: {  	[tilespmem:s14], [sflag:$0x2] =	stream.indirect_vreg.gather [hbm4b:s1+s16], $0x80, v4, vm0, $0xb8;
	[tilespmem:$0x18100] =	vst v63  }
0x205: {  	s17 =	simm.s32 $0xF900;
	v3 =	vadd.s32 v1, v3  }
0x206: {  	[tilespmem:s17], [sflag:$0x2] =	stream.indirect_vreg.gather [hbm4b:s11+s16], $0x80, v4, vm0, $0xb8;
	[tilespmem:$0x18100] =	vst v63  }
0x207: {  	s25 =	simm.s32 $0x10100  }
0x208: {  	[tilespmem:s25], [sflag:$0x2] =	stream.indirect_vreg.gather [hbm4b:s12+s16], $0x80, v4, vm0, $0xb8;
	[tilespmem:$0x18100] =	vst v63  }
0x209: {  	s18 =	simm.s32 $0x10900  }
0x20a: {  	[tilespmem:s18], [sflag:$0x2] =	stream.indirect_vreg.gather [hbm4b:s1+s16], $0x80, v3, vm0, $0xb8;
	[tilespmem:$0x18100] =	vst v63  }
0x20b: {  	s19 =	simm.s32 $0x11100  }
0x20c: {  	[tilespmem:s19], [sflag:$0x2] =	stream.indirect_vreg.gather [hbm4b:s11+s16], $0x80, v3, vm0, $0xb8;
	[tilespmem:$0x18100] =	vst v63  }
0x20d: {  	s21 =	simm.s32 $0x11900  }
0x20e: {  	[tilespmem:s21], [sflag:$0x2] =	stream.indirect_vreg.gather [hbm4b:s12+s16], $0x80, v3, vm0, $0xb8;
	[tilespmem:$0x18100] =	vst v63  }
0x20f: {  	s23 =	simm.s32 $0x0;
	s24 =	sand.u32 $0x1C00, s16;
	s22 =	rddreg [dreg:$0x11]  }
0x210: {  	[hbm4b:s22+s16] =	stream.linear.scatter [tilespmem:s20], [sflag:$0x7], $0x3000, $0x38;
	[tilespmem:$0x18100] =	vst v63  }
0x211: {  	s17 =	simm.s32 $0x0;
	s18 =	sand.u32 $0x1800, s23;
	_ =	swait.ge [sflag:s8], $0x3000  }
0x212: {  	s25 =	sand.u32 $0x70, s17;
	s18 =	sadd.s32 s24, s18;
	[sflag:s8] =	ssyncset.done $0x0  }
0x213: {  	s23 =	sor.u32 s25, s18;
	[sflag:s8] =	ssyncadd.s32 $0xFFFFD000  }
0x214: {  	v5 =	vld [tilespmem:s23+$0x3480]  }
0x215: {  	v9 =	vld [tilespmem:s23+$0x3100]  }
0x216: {  	v6 =	vld [tilespmem:s23+$0x3180]  }
0x217: {  	v3 =	vld [tilespmem:s23+$0x3200]  }
0x218: {  	v4 =	vld [tilespmem:s23+$0x3280]  }
0x219: {  	v8 =	vld [tilespmem:s23+$0x3300]  }
0x21a: {  	s18 =	sadd.s32 $0x15100, s23;
	v7 =	vld [tilespmem:s23+$0x3380]  }
0x21b: {  	[tilespmem:s18+$0x380] =	vst.add.f32.msk $0xffff, v5  }
0x21c: {  	v5 =	vld [tilespmem:s23+$0x3400]  }
0x21d: {  	s21 =	sor.u32 $0x200, s18;
	s19 =	sor.u32 $0x280, s18;
	s22 =	sor.u32 $0x80, s18;
	[tilespmem:s23+$0x15100] =	vst.add.f32.msk $0xffff, v9  }
.LBB2_16:
0x21e: {  	s17 =	sadd.s32 $0x8, s17;
	[tilespmem:s22+$0x0] =	vst.add.f32.msk $0xffff, v6  }
0x21f: {  	s22 =	sshll.u32 s17, $0x1C;
	p0 =	slt.u32 s17, $0x2F8;
	[tilespmem:s18+$0x100] =	vst.add.f32.msk $0xffff, v3  }
0x220: {  	s16 =	sadd.s32 $0x40, s16;
	s22 =	sshra.s32 s22, $0x1F;
	[tilespmem:s18+$0x180] =	vst.add.f32.msk $0xffff, v4  }
0x221: {  	s23 =	sand.u32 $0x1C00, s16;
	s22 =	sand.u32 $0x1800, s22;
	[tilespmem:s21+$0x0] =	vst.add.f32.msk $0xffff, v8  }
0x222: {  	s21 =	sand.u32 $0x70, s17;
	s22 =	sadd.s32 s23, s22;
	[tilespmem:s19+$0x0] =	vst.add.f32.msk $0xffff, v7  }
0x223: {  	s23 =	sor.u32 s21, s22;
	[tilespmem:s18+$0x300] =	vst.add.f32.msk $0xffff, v5  }
0x224: {  	v5 =	vld [tilespmem:s23+$0x3480]  }
0x225: {  	v9 =	vld [tilespmem:s23+$0x3100]  }
0x226: {  	v6 =	vld [tilespmem:s23+$0x3180]  }
0x227: {  	s18 =	sadd.s32 $0x15100, s23;
	v3 =	vld [tilespmem:s23+$0x3200]  }
0x228: {  	s22 =	sor.u32 $0x80, s18;
	v4 =	vld [tilespmem:s23+$0x3280]  }
.Ltmp7:
0x229: {  	s21 =	sor.u32 $0x200, s18;
	s19 =	sor.u32 $0x280, s18;
	[tilespmem:s18+$0x380] =	vst.add.f32.msk $0xffff, v5;
	(pc) =	sbr.rel @p0 .LBB2_16-.Ltmp7, $4  }
0x22a: {  	v8 =	vld [tilespmem:s23+$0x3300]  }
0x22b: {  	v7 =	vld [tilespmem:s23+$0x3380]  }
0x22c: {  	v5 =	vld [tilespmem:s23+$0x3400]  }
0x22d: {  	[tilespmem:s23+$0x15100] =	vst.add.f32.msk $0xffff, v9  }
0x22e: {  	[tilespmem:s22+$0x0] =	vst.add.f32.msk $0xffff, v6  }
0x22f: {  	[tilespmem:s18+$0x100] =	vst.add.f32.msk $0xffff, v3  }
0x230: {  	[tilespmem:s18+$0x180] =	vst.add.f32.msk $0xffff, v4  }
0x231: {  	[tilespmem:s21+$0x0] =	vst.add.f32.msk $0xffff, v8  }
0x232: {  	[tilespmem:s19+$0x0] =	vst.add.f32.msk $0xffff, v7  }
0x233: {  	[tilespmem:s18+$0x300] =	vst.add.f32.msk $0xffff, v5  }
0x234: {  	_ =	swait.ge [sflag:s9], $0x3000  }
0x235: {  	[sflag:s9] =	ssyncset.done $0x0  }
0x236: {  	[sflag:s9] =	ssyncadd.s32 $0xFFFFD000  }
0x237: {  	v3 =	vld [tilespmem:$0xA0];
	_ =	sdelay $0x4  }
0x238: {  	v4 =	vshrl.u32 v3, $0x3  }
0x239: {  	v4 =	vmul.u32 $0x30, v4  }
0x23a: {  	v3 =	vand.u32 $0x7, v3  }
0x23b: {  	v3 =	vor.u32 v3, v4  }
0x23c: {  	v4 =	vperm.xlane v3, v0;
	_ =	sdelay $0x1  }
0x23d: {  	v4 =	vadd.s32 v1, v4;
	_ =	sdelay $0x3  }
0x23e: {  	s16 =	simm.s32 $0x0;
	v3 =	vperm.xlane v3, v2  }
0x23f: {  	[tilespmem:s20], [sflag:$0x3] =	stream.indirect_vreg.gather [hbm4b:s1+s16], $0x80, v4, vm0, $0xb8;
	[tilespmem:$0x18100] =	vst v63  }
0x240: {  	s17 =	simm.s32 $0x12900;
	v3 =	vadd.s32 v1, v3  }
0x241: {  	[tilespmem:s17], [sflag:$0x3] =	stream.indirect_vreg.gather [hbm4b:s11+s16], $0x80, v4, vm0, $0xb8;
	[tilespmem:$0x18100] =	vst v63  }
0x242: {  	s24 =	simm.s32 $0x13100  }
0x243: {  	[tilespmem:s24], [sflag:$0x3] =	stream.indirect_vreg.gather [hbm4b:s12+s16], $0x80, v4, vm0, $0xb8;
	[tilespmem:$0x18100] =	vst v63  }
0x244: {  	s25 =	simm.s32 $0x13900  }
0x245: {  	[tilespmem:s25], [sflag:$0x3] =	stream.indirect_vreg.gather [hbm4b:s1+s16], $0x80, v3, vm0, $0xb8;
	[tilespmem:$0x18100] =	vst v63  }
0x246: {  	s18 =	simm.s32 $0x14100  }
0x247: {  	[tilespmem:s18], [sflag:$0x3] =	stream.indirect_vreg.gather [hbm4b:s11+s16], $0x80, v3, vm0, $0xb8;
	[tilespmem:$0x18100] =	vst v63  }
0x248: {  	s19 =	simm.s32 $0x14900  }
0x249: {  	[tilespmem:s19], [sflag:$0x3] =	stream.indirect_vreg.gather [hbm4b:s12+s16], $0x80, v3, vm0, $0xb8;
	[tilespmem:$0x18100] =	vst v63  }
0x24a: {  	s22 =	simm.s32 $0xA;
	s21 =	rddreg [dreg:$0x12]  }
0x24b: {  	[hbm4b:s21+s16] =	stream.linear.scatter [tilespmem:s29], [sflag:$0x8], $0x3000, $0x38;
	[tilespmem:$0x18100] =	vst v63  }
0x24c: {  	_ =	swait.ge [sflag:s22], $0x6000  }
0x24d: {  	[sflag:s22] =	ssyncset.done $0x0  }
0x24e: {  	s23 =	simm.s32 $0x0;
	s17 =	simm.s32 $0x0;
	[sflag:s22] =	ssyncadd.s32 $0xFFFFA000  }
0x24f: {  	s24 =	sand.u32 $0x1C00, s16;
	s18 =	sand.u32 $0x1800, s23;
	_ =	swait.ge [sflag:s28], $0x3000  }
0x250: {  	s25 =	sand.u32 $0x70, s17;
	s18 =	sadd.s32 s24, s18;
	[sflag:s28] =	ssyncset.done $0x0  }
0x251: {  	s18 =	sor.u32 s25, s18;
	[sflag:s28] =	ssyncadd.s32 $0xFFFFD000  }
0x252: {  	v3 =	vld [tilespmem:s18+$0x6480]  }
0x253: {  	v9 =	vld [tilespmem:s18+$0x6100]  }
0x254: {  	v8 =	vld [tilespmem:s18+$0x6180]  }
0x255: {  	v6 =	vld [tilespmem:s18+$0x6200]  }
0x256: {  	v4 =	vld [tilespmem:s18+$0x6280]  }
0x257: {  	v5 =	vld [tilespmem:s18+$0x6300]  }
0x258: {  	v7 =	vld [tilespmem:s18+$0x6400]  }
0x259: {  	[tilespmem:s18+$0xC480] =	vst.add.f32.msk $0xffff, v3  }
0x25a: {  	s25 =	sor.u32 $0xC100, s18;
	s24 =	sor.u32 $0xC180, s18;
	s23 =	sor.u32 $0xC280, s18;
	v3 =	vld [tilespmem:s18+$0x6380]  }
0x25b: {  	s19 =	sor.u32 $0xC380, s18;
	s21 =	sor.u32 $0xC300, s18;
	s22 =	sor.u32 $0xC200, s18;
	[tilespmem:s25+$0x0] =	vst.add.f32.msk $0xffff, v9  }
.LBB2_18:
0x25c: {  	s17 =	sadd.s32 $0x8, s17;
	[tilespmem:s24+$0x0] =	vst.add.f32.msk $0xffff, v8  }
0x25d: {  	s24 =	sshll.u32 s17, $0x1C;
	p0 =	slt.u32 s17, $0x2F8;
	[tilespmem:s22+$0x0] =	vst.add.f32.msk $0xffff, v6  }
0x25e: {  	s16 =	sadd.s32 $0x40, s16;
	s22 =	sshra.s32 s24, $0x1F;
	[tilespmem:s23+$0x0] =	vst.add.f32.msk $0xffff, v4  }
0x25f: {  	s23 =	sand.u32 $0x1C00, s16;
	s22 =	sand.u32 $0x1800, s22;
	[tilespmem:s21+$0x0] =	vst.add.f32.msk $0xffff, v5  }
0x260: {  	s21 =	sand.u32 $0x70, s17;
	s22 =	sadd.s32 s23, s22;
	[tilespmem:s19+$0x0] =	vst.add.f32.msk $0xffff, v3  }
0x261: {  	[tilespmem:s18+$0xC400] =	vst.add.f32.msk $0xffff, v7;
	s18 =	sor.u32 s21, s22  }
0x262: {  	s25 =	sor.u32 $0xC100, s18;
	s24 =	sor.u32 $0xC180, s18;
	s22 =	sor.u32 $0xC200, s18;
	v3 =	vld [tilespmem:s18+$0x6480]  }
0x263: {  	s23 =	sor.u32 $0xC280, s18;
	s21 =	sor.u32 $0xC300, s18;
	s19 =	sor.u32 $0xC380, s18;
	v9 =	vld [tilespmem:s18+$0x6100]  }
0x264: {  	v8 =	vld [tilespmem:s18+$0x6180]  }
0x265: {  	v6 =	vld [tilespmem:s18+$0x6200]  }
0x266: {  	v4 =	vld [tilespmem:s18+$0x6280]  }
.Ltmp8:
0x267: {  	[tilespmem:s18+$0xC480] =	vst.add.f32.msk $0xffff, v3;
	(pc) =	sbr.rel @p0 .LBB2_18-.Ltmp8, $4  }
0x268: {  	v5 =	vld [tilespmem:s18+$0x6300]  }
0x269: {  	v3 =	vld [tilespmem:s18+$0x6380]  }
0x26a: {  	v7 =	vld [tilespmem:s18+$0x6400]  }
0x26b: {  	[tilespmem:s25+$0x0] =	vst.add.f32.msk $0xffff, v9  }
0x26c: {  	[tilespmem:s24+$0x0] =	vst.add.f32.msk $0xffff, v8  }
0x26d: {  	[tilespmem:s22+$0x0] =	vst.add.f32.msk $0xffff, v6  }
0x26e: {  	[tilespmem:s23+$0x0] =	vst.add.f32.msk $0xffff, v4  }
0x26f: {  	[tilespmem:s21+$0x0] =	vst.add.f32.msk $0xffff, v5  }
0x270: {  	[tilespmem:s19+$0x0] =	vst.add.f32.msk $0xffff, v3  }
0x271: {  	[tilespmem:s18+$0xC400] =	vst.add.f32.msk $0xffff, v7  }
0x272: {  	_ =	swait.ge [sflag:s13], $0x3000  }
0x273: {  	[sflag:s13] =	ssyncset.done $0x0  }
0x274: {  	[sflag:s13] =	ssyncadd.s32 $0xFFFFD000  }
0x275: {  	v3 =	vld [tilespmem:$0xE0];
	_ =	sdelay $0x4  }
0x276: {  	v4 =	vshrl.u32 v3, $0x3  }
0x277: {  	v4 =	vmul.u32 $0x30, v4  }
0x278: {  	v3 =	vand.u32 $0x7, v3  }
0x279: {  	v3 =	vor.u32 v3, v4  }
0x27a: {  	v4 =	vperm.xlane v3, v0;
	_ =	sdelay $0x1  }
0x27b: {  	v4 =	vadd.s32 v1, v4;
	_ =	sdelay $0x3  }
0x27c: {  	s16 =	simm.s32 $0x0;
	v3 =	vperm.xlane v3, v2  }
0x27d: {  	[tilespmem:s29], [sflag:$0x4] =	stream.indirect_vreg.gather [hbm4b:s1+s16], $0x80, v4, vm0, $0xb8;
	[tilespmem:$0x18100] =	vst v63  }
0x27e: {  	v3 =	vadd.s32 v1, v3  }
0x27f: {  	[tilespmem:s4], [sflag:$0x4] =	stream.indirect_vreg.gather [hbm4b:s11+s16], $0x80, v4, vm0, $0xb8;
	[tilespmem:$0x18100] =	vst v63  }
0x280: {  	_ = 	snop  }
0x281: {  	[tilespmem:s10], [sflag:$0x4] =	stream.indirect_vreg.gather [hbm4b:s12+s16], $0x80, v4, vm0, $0xb8;
	[tilespmem:$0x18100] =	vst v63  }
0x282: {  	_ = 	snop  }
0x283: {  	[tilespmem:s31], [sflag:$0x4] =	stream.indirect_vreg.gather [hbm4b:s1+s16], $0x80, v3, vm0, $0xb8;
	[tilespmem:$0x18100] =	vst v63  }
0x284: {  	_ = 	snop  }
0x285: {  	[tilespmem:s2], [sflag:$0x4] =	stream.indirect_vreg.gather [hbm4b:s11+s16], $0x80, v3, vm0, $0xb8;
	[tilespmem:$0x18100] =	vst v63  }
0x286: {  	_ = 	snop  }
0x287: {  	[tilespmem:s0], [sflag:$0x4] =	stream.indirect_vreg.gather [hbm4b:s12+s16], $0x80, v3, vm0, $0xb8;
	[tilespmem:$0x18100] =	vst v63  }
0x288: {  	s23 =	simm.s32 $0x0;
	s24 =	sand.u32 $0x1C00, s16;
	s17 =	rddreg [dreg:$0x13]  }
0x289: {  	[hbm4b:s17+s16] =	stream.linear.scatter [tilespmem:s5], [sflag:$0x5], $0x3000, $0x38;
	[tilespmem:$0x18100] =	vst v63  }
0x28a: {  	s18 =	sand.u32 $0x1800, s23;
	s17 =	simm.s32 $0x0;
	_ =	swait.ge [sflag:s30], $0x3000  }
0x28b: {  	s18 =	sadd.s32 s24, s18;
	s25 =	sand.u32 $0x70, s17;
	[sflag:s30] =	ssyncset.done $0x0  }
0x28c: {  	s18 =	sor.u32 s25, s18;
	[sflag:s30] =	ssyncadd.s32 $0xFFFFD000  }
0x28d: {  	v3 =	vld [tilespmem:s18+$0x6480]  }
0x28e: {  	v9 =	vld [tilespmem:s18+$0x6100]  }
0x28f: {  	v8 =	vld [tilespmem:s18+$0x6180]  }
0x290: {  	v7 =	vld [tilespmem:s18+$0x6200]  }
0x291: {  	v5 =	vld [tilespmem:s18+$0x6280]  }
0x292: {  	v6 =	vld [tilespmem:s18+$0x6300]  }
0x293: {  	v4 =	vld [tilespmem:s18+$0x6400]  }
0x294: {  	[tilespmem:s18+$0xF480] =	vst.add.f32.msk $0xffff, v3  }
0x295: {  	v3 =	vld [tilespmem:s18+$0x6380]  }
0x296: {  	[tilespmem:s18+$0xF100] =	vst.add.f32.msk $0xffff, v9  }
.LBB2_20:
0x297: {  	s17 =	sadd.s32 $0x8, s17;
	[tilespmem:s18+$0xF180] =	vst.add.f32.msk $0xffff, v8  }
0x298: {  	s19 =	sshll.u32 s17, $0x1C;
	p0 =	slt.u32 s17, $0x2F8;
	[tilespmem:s18+$0xF200] =	vst.add.f32.msk $0xffff, v7  }
0x299: {  	s16 =	sadd.s32 $0x40, s16;
	s19 =	sshra.s32 s19, $0x1F;
	[tilespmem:s18+$0xF280] =	vst.add.f32.msk $0xffff, v5  }
0x29a: {  	s21 =	sand.u32 $0x1C00, s16;
	s19 =	sand.u32 $0x1800, s19;
	[tilespmem:s18+$0xF300] =	vst.add.f32.msk $0xffff, v6  }
0x29b: {  	s22 =	sand.u32 $0x70, s17;
	s19 =	sadd.s32 s21, s19;
	[tilespmem:s18+$0xF380] =	vst.add.f32.msk $0xffff, v3  }
0x29c: {  	[tilespmem:s18+$0xF400] =	vst.add.f32.msk $0xffff, v4;
	s18 =	sor.u32 s22, s19  }
0x29d: {  	v3 =	vld [tilespmem:s18+$0x6480]  }
0x29e: {  	v9 =	vld [tilespmem:s18+$0x6100]  }
0x29f: {  	v8 =	vld [tilespmem:s18+$0x6180]  }
0x2a0: {  	v7 =	vld [tilespmem:s18+$0x6200]  }
0x2a1: {  	v5 =	vld [tilespmem:s18+$0x6280]  }
.Ltmp9:
0x2a2: {  	[tilespmem:s18+$0xF480] =	vst.add.f32.msk $0xffff, v3;
	(pc) =	sbr.rel @p0 .LBB2_20-.Ltmp9, $4  }
0x2a3: {  	v6 =	vld [tilespmem:s18+$0x6300]  }
0x2a4: {  	v3 =	vld [tilespmem:s18+$0x6380]  }
0x2a5: {  	v4 =	vld [tilespmem:s18+$0x6400]  }
0x2a6: {  	[tilespmem:s18+$0xF100] =	vst.add.f32.msk $0xffff, v9  }
0x2a7: {  	[tilespmem:s18+$0xF180] =	vst.add.f32.msk $0xffff, v8  }
0x2a8: {  	[tilespmem:s18+$0xF200] =	vst.add.f32.msk $0xffff, v7  }
0x2a9: {  	[tilespmem:s18+$0xF280] =	vst.add.f32.msk $0xffff, v5  }
0x2aa: {  	[tilespmem:s18+$0xF300] =	vst.add.f32.msk $0xffff, v6  }
0x2ab: {  	[tilespmem:s18+$0xF380] =	vst.add.f32.msk $0xffff, v3  }
0x2ac: {  	[tilespmem:s18+$0xF400] =	vst.add.f32.msk $0xffff, v4  }
0x2ad: {  	_ =	swait.ge [sflag:s26], $0x3000  }
0x2ae: {  	[sflag:s26] =	ssyncset.done $0x0  }
0x2af: {  	[sflag:s26] =	ssyncadd.s32 $0xFFFFD000  }
0x2b0: {  	v3 =	vld [tilespmem:$0x30];
	_ =	sdelay $0x4  }
0x2b1: {  	v4 =	vshrl.u32 v3, $0x3  }
0x2b2: {  	v4 =	vmul.u32 $0x30, v4  }
0x2b3: {  	v3 =	vand.u32 $0x7, v3  }
0x2b4: {  	v3 =	vor.u32 v3, v4  }
0x2b5: {  	v4 =	vperm.xlane v3, v0;
	_ =	sdelay $0x1  }
0x2b6: {  	v4 =	vadd.s32 v1, v4;
	_ =	sdelay $0x3  }
0x2b7: {  	s16 =	simm.s32 $0x0;
	v3 =	vperm.xlane v3, v2  }
0x2b8: {  	[tilespmem:s5], [sflag:$0x1] =	stream.indirect_vreg.gather [hbm4b:s1+s16], $0x80, v4, vm0, $0xb8;
	[tilespmem:$0x18100] =	vst v63  }
0x2b9: {  	s17 =	simm.s32 $0xC900;
	v3 =	vadd.s32 v1, v3  }
0x2ba: {  	[tilespmem:s17], [sflag:$0x1] =	stream.indirect_vreg.gather [hbm4b:s11+s16], $0x80, v4, vm0, $0xb8;
	[tilespmem:$0x18100] =	vst v63  }
0x2bb: {  	s19 =	simm.s32 $0xD100  }
0x2bc: {  	[tilespmem:s19], [sflag:$0x1] =	stream.indirect_vreg.gather [hbm4b:s12+s16], $0x80, v4, vm0, $0xb8;
	[tilespmem:$0x18100] =	vst v63  }
0x2bd: {  	s21 =	simm.s32 $0xD900  }
0x2be: {  	[tilespmem:s21], [sflag:$0x1] =	stream.indirect_vreg.gather [hbm4b:s1+s16], $0x80, v3, vm0, $0xb8;
	[tilespmem:$0x18100] =	vst v63  }
0x2bf: {  	s22 =	simm.s32 $0xE100  }
0x2c0: {  	[tilespmem:s22], [sflag:$0x1] =	stream.indirect_vreg.gather [hbm4b:s11+s16], $0x80, v3, vm0, $0xb8;
	[tilespmem:$0x18100] =	vst v63  }
0x2c1: {  	s23 =	simm.s32 $0xE900;
	s25 =	simm.s32 $0x0  }
0x2c2: {  	[tilespmem:s23], [sflag:$0x1] =	stream.indirect_vreg.gather [hbm4b:s12+s16], $0x80, v3, vm0, $0xb8;
	[tilespmem:$0x18100] =	vst v63  }
0x2c3: {  	s18 =	sand.u32 $0x1800, s25;
	s24 =	rddreg [dreg:$0x14]  }
0x2c4: {  	[hbm4b:s24+s16] =	stream.linear.scatter [tilespmem:s14], [sflag:$0x6], $0x3000, $0x38;
	[tilespmem:$0x18100] =	vst v63  }
0x2c5: {  	s17 =	simm.s32 $0x0;
	s19 =	sand.u32 $0x1C00, s16;
	_ =	swait.ge [sflag:s6], $0x3000  }
0x2c6: {  	s18 =	sadd.s32 s19, s18;
	s21 =	sand.u32 $0x70, s17;
	[sflag:s6] =	ssyncset.done $0x0  }
0x2c7: {  	s23 =	sor.u32 s21, s18;
	[sflag:s6] =	ssyncadd.s32 $0xFFFFD000  }
0x2c8: {  	v5 =	vld [tilespmem:s23+$0x6480]  }
0x2c9: {  	v9 =	vld [tilespmem:s23+$0x6100]  }
0x2ca: {  	v6 =	vld [tilespmem:s23+$0x6180]  }
0x2cb: {  	v3 =	vld [tilespmem:s23+$0x6200]  }
0x2cc: {  	v4 =	vld [tilespmem:s23+$0x6280]  }
0x2cd: {  	v8 =	vld [tilespmem:s23+$0x6300]  }
0x2ce: {  	s18 =	sadd.s32 $0x12100, s23;
	v7 =	vld [tilespmem:s23+$0x6380]  }
0x2cf: {  	[tilespmem:s18+$0x380] =	vst.add.f32.msk $0xffff, v5  }
0x2d0: {  	v5 =	vld [tilespmem:s23+$0x6400]  }
0x2d1: {  	s22 =	sor.u32 $0x80, s18;
	s21 =	sor.u32 $0x200, s18;
	s19 =	sor.u32 $0x280, s18;
	[tilespmem:s23+$0x12100] =	vst.add.f32.msk $0xffff, v9  }
.LBB2_22:
0x2d2: {  	s17 =	sadd.s32 $0x8, s17;
	[tilespmem:s22+$0x0] =	vst.add.f32.msk $0xffff, v6  }
0x2d3: {  	s22 =	sshll.u32 s17, $0x1C;
	p0 =	slt.u32 s17, $0x2F8;
	[tilespmem:s18+$0x100] =	vst.add.f32.msk $0xffff, v3  }
0x2d4: {  	s16 =	sadd.s32 $0x40, s16;
	s22 =	sshra.s32 s22, $0x1F;
	[tilespmem:s18+$0x180] =	vst.add.f32.msk $0xffff, v4  }
0x2d5: {  	s23 =	sand.u32 $0x1C00, s16;
	s22 =	sand.u32 $0x1800, s22;
	[tilespmem:s21+$0x0] =	vst.add.f32.msk $0xffff, v8  }
0x2d6: {  	s21 =	sand.u32 $0x70, s17;
	s22 =	sadd.s32 s23, s22;
	[tilespmem:s19+$0x0] =	vst.add.f32.msk $0xffff, v7  }
0x2d7: {  	s23 =	sor.u32 s21, s22;
	[tilespmem:s18+$0x300] =	vst.add.f32.msk $0xffff, v5  }
0x2d8: {  	v5 =	vld [tilespmem:s23+$0x6480]  }
0x2d9: {  	v9 =	vld [tilespmem:s23+$0x6100]  }
0x2da: {  	v6 =	vld [tilespmem:s23+$0x6180]  }
0x2db: {  	s18 =	sadd.s32 $0x12100, s23;
	v3 =	vld [tilespmem:s23+$0x6200]  }
0x2dc: {  	s22 =	sor.u32 $0x80, s18;
	v4 =	vld [tilespmem:s23+$0x6280]  }
.Ltmp10:
0x2dd: {  	s21 =	sor.u32 $0x200, s18;
	s19 =	sor.u32 $0x280, s18;
	[tilespmem:s18+$0x380] =	vst.add.f32.msk $0xffff, v5;
	(pc) =	sbr.rel @p0 .LBB2_22-.Ltmp10, $4  }
0x2de: {  	v8 =	vld [tilespmem:s23+$0x6300]  }
0x2df: {  	v7 =	vld [tilespmem:s23+$0x6380]  }
0x2e0: {  	v5 =	vld [tilespmem:s23+$0x6400]  }
0x2e1: {  	[tilespmem:s23+$0x12100] =	vst.add.f32.msk $0xffff, v9  }
0x2e2: {  	[tilespmem:s22+$0x0] =	vst.add.f32.msk $0xffff, v6  }
0x2e3: {  	[tilespmem:s18+$0x100] =	vst.add.f32.msk $0xffff, v3  }
0x2e4: {  	[tilespmem:s18+$0x180] =	vst.add.f32.msk $0xffff, v4  }
0x2e5: {  	[tilespmem:s21+$0x0] =	vst.add.f32.msk $0xffff, v8  }
0x2e6: {  	[tilespmem:s19+$0x0] =	vst.add.f32.msk $0xffff, v7  }
0x2e7: {  	[tilespmem:s18+$0x300] =	vst.add.f32.msk $0xffff, v5  }
0x2e8: {  	_ =	swait.ge [sflag:s7], $0x3000  }
0x2e9: {  	[sflag:s7] =	ssyncset.done $0x0  }
0x2ea: {  	[sflag:s7] =	ssyncadd.s32 $0xFFFFD000  }
0x2eb: {  	v3 =	vld [tilespmem:$0x70];
	_ =	sdelay $0x4  }
0x2ec: {  	v4 =	vshrl.u32 v3, $0x3  }
0x2ed: {  	v4 =	vmul.u32 $0x30, v4  }
0x2ee: {  	v3 =	vand.u32 $0x7, v3  }
0x2ef: {  	v3 =	vor.u32 v3, v4  }
0x2f0: {  	v4 =	vperm.xlane v3, v0;
	_ =	sdelay $0x1  }
0x2f1: {  	v4 =	vadd.s32 v1, v4;
	_ =	sdelay $0x3  }
0x2f2: {  	s16 =	simm.s32 $0x0;
	v3 =	vperm.xlane v3, v2  }
0x2f3: {  	[tilespmem:s14], [sflag:$0x2] =	stream.indirect_vreg.gather [hbm4b:s1+s16], $0x80, v4, vm0, $0xb8;
	[tilespmem:$0x18100] =	vst v63  }
0x2f4: {  	s17 =	simm.s32 $0xF900;
	v3 =	vadd.s32 v1, v3  }
0x2f5: {  	[tilespmem:s17], [sflag:$0x2] =	stream.indirect_vreg.gather [hbm4b:s11+s16], $0x80, v4, vm0, $0xb8;
	[tilespmem:$0x18100] =	vst v63  }
0x2f6: {  	s25 =	simm.s32 $0x10100  }
0x2f7: {  	[tilespmem:s25], [sflag:$0x2] =	stream.indirect_vreg.gather [hbm4b:s12+s16], $0x80, v4, vm0, $0xb8;
	[tilespmem:$0x18100] =	vst v63  }
0x2f8: {  	s18 =	simm.s32 $0x10900  }
0x2f9: {  	[tilespmem:s18], [sflag:$0x2] =	stream.indirect_vreg.gather [hbm4b:s1+s16], $0x80, v3, vm0, $0xb8;
	[tilespmem:$0x18100] =	vst v63  }
0x2fa: {  	s19 =	simm.s32 $0x11100  }
0x2fb: {  	[tilespmem:s19], [sflag:$0x2] =	stream.indirect_vreg.gather [hbm4b:s11+s16], $0x80, v3, vm0, $0xb8;
	[tilespmem:$0x18100] =	vst v63  }
0x2fc: {  	s21 =	simm.s32 $0x11900  }
0x2fd: {  	[tilespmem:s21], [sflag:$0x2] =	stream.indirect_vreg.gather [hbm4b:s12+s16], $0x80, v3, vm0, $0xb8;
	[tilespmem:$0x18100] =	vst v63  }
0x2fe: {  	s23 =	simm.s32 $0x0;
	s24 =	sand.u32 $0x1C00, s16;
	s22 =	rddreg [dreg:$0x15]  }
0x2ff: {  	[hbm4b:s22+s16] =	stream.linear.scatter [tilespmem:s20], [sflag:$0x7], $0x3000, $0x38;
	[tilespmem:$0x18100] =	vst v63  }
0x300: {  	s17 =	simm.s32 $0x0;
	s18 =	sand.u32 $0x1800, s23;
	_ =	swait.ge [sflag:s8], $0x3000  }
0x301: {  	s25 =	sand.u32 $0x70, s17;
	s18 =	sadd.s32 s24, s18;
	[sflag:s8] =	ssyncset.done $0x0  }
0x302: {  	s23 =	sor.u32 s25, s18;
	[sflag:s8] =	ssyncadd.s32 $0xFFFFD000  }
0x303: {  	v5 =	vld [tilespmem:s23+$0x6480]  }
0x304: {  	v9 =	vld [tilespmem:s23+$0x6100]  }
0x305: {  	v6 =	vld [tilespmem:s23+$0x6180]  }
0x306: {  	v3 =	vld [tilespmem:s23+$0x6200]  }
0x307: {  	v4 =	vld [tilespmem:s23+$0x6280]  }
0x308: {  	v8 =	vld [tilespmem:s23+$0x6300]  }
0x309: {  	s18 =	sadd.s32 $0x15100, s23;
	v7 =	vld [tilespmem:s23+$0x6380]  }
0x30a: {  	[tilespmem:s18+$0x380] =	vst.add.f32.msk $0xffff, v5  }
0x30b: {  	v5 =	vld [tilespmem:s23+$0x6400]  }
0x30c: {  	s21 =	sor.u32 $0x200, s18;
	s19 =	sor.u32 $0x280, s18;
	s22 =	sor.u32 $0x80, s18;
	[tilespmem:s23+$0x15100] =	vst.add.f32.msk $0xffff, v9  }
.LBB2_24:
0x30d: {  	s17 =	sadd.s32 $0x8, s17;
	[tilespmem:s22+$0x0] =	vst.add.f32.msk $0xffff, v6  }
0x30e: {  	s22 =	sshll.u32 s17, $0x1C;
	p0 =	slt.u32 s17, $0x2F8;
	[tilespmem:s18+$0x100] =	vst.add.f32.msk $0xffff, v3  }
0x30f: {  	s16 =	sadd.s32 $0x40, s16;
	s22 =	sshra.s32 s22, $0x1F;
	[tilespmem:s18+$0x180] =	vst.add.f32.msk $0xffff, v4  }
0x310: {  	s23 =	sand.u32 $0x1C00, s16;
	s22 =	sand.u32 $0x1800, s22;
	[tilespmem:s21+$0x0] =	vst.add.f32.msk $0xffff, v8  }
0x311: {  	s21 =	sand.u32 $0x70, s17;
	s22 =	sadd.s32 s23, s22;
	[tilespmem:s19+$0x0] =	vst.add.f32.msk $0xffff, v7  }
0x312: {  	s23 =	sor.u32 s21, s22;
	[tilespmem:s18+$0x300] =	vst.add.f32.msk $0xffff, v5  }
0x313: {  	v5 =	vld [tilespmem:s23+$0x6480]  }
0x314: {  	v9 =	vld [tilespmem:s23+$0x6100]  }
0x315: {  	v6 =	vld [tilespmem:s23+$0x6180]  }
0x316: {  	s18 =	sadd.s32 $0x15100, s23;
	v3 =	vld [tilespmem:s23+$0x6200]  }
0x317: {  	s22 =	sor.u32 $0x80, s18;
	v4 =	vld [tilespmem:s23+$0x6280]  }
.Ltmp11:
0x318: {  	s21 =	sor.u32 $0x200, s18;
	s19 =	sor.u32 $0x280, s18;
	[tilespmem:s18+$0x380] =	vst.add.f32.msk $0xffff, v5;
	(pc) =	sbr.rel @p0 .LBB2_24-.Ltmp11, $4  }
0x319: {  	v8 =	vld [tilespmem:s23+$0x6300]  }
0x31a: {  	v7 =	vld [tilespmem:s23+$0x6380]  }
0x31b: {  	v5 =	vld [tilespmem:s23+$0x6400]  }
0x31c: {  	[tilespmem:s23+$0x15100] =	vst.add.f32.msk $0xffff, v9  }
0x31d: {  	[tilespmem:s22+$0x0] =	vst.add.f32.msk $0xffff, v6  }
0x31e: {  	[tilespmem:s18+$0x100] =	vst.add.f32.msk $0xffff, v3  }
0x31f: {  	[tilespmem:s18+$0x180] =	vst.add.f32.msk $0xffff, v4  }
0x320: {  	[tilespmem:s21+$0x0] =	vst.add.f32.msk $0xffff, v8  }
0x321: {  	[tilespmem:s19+$0x0] =	vst.add.f32.msk $0xffff, v7  }
0x322: {  	[tilespmem:s18+$0x300] =	vst.add.f32.msk $0xffff, v5  }
0x323: {  	_ =	swait.ge [sflag:s9], $0x3000  }
0x324: {  	[sflag:s9] =	ssyncset.done $0x0  }
0x325: {  	[sflag:s9] =	ssyncadd.s32 $0xFFFFD000  }
0x326: {  	v3 =	vld [tilespmem:$0xB0];
	_ =	sdelay $0x4  }
0x327: {  	v4 =	vshrl.u32 v3, $0x3  }
0x328: {  	v4 =	vmul.u32 $0x30, v4  }
0x329: {  	v3 =	vand.u32 $0x7, v3  }
0x32a: {  	v3 =	vor.u32 v3, v4  }
0x32b: {  	v4 =	vperm.xlane v3, v0;
	_ =	sdelay $0x1  }
0x32c: {  	v4 =	vadd.s32 v1, v4;
	_ =	sdelay $0x3  }
0x32d: {  	s16 =	simm.s32 $0x0;
	v3 =	vperm.xlane v3, v2  }
0x32e: {  	[tilespmem:s20], [sflag:$0x3] =	stream.indirect_vreg.gather [hbm4b:s1+s16], $0x80, v4, vm0, $0xb8;
	[tilespmem:$0x18100] =	vst v63  }
0x32f: {  	s17 =	simm.s32 $0x12900;
	v3 =	vadd.s32 v1, v3  }
0x330: {  	[tilespmem:s17], [sflag:$0x3] =	stream.indirect_vreg.gather [hbm4b:s11+s16], $0x80, v4, vm0, $0xb8;
	[tilespmem:$0x18100] =	vst v63  }
0x331: {  	s25 =	simm.s32 $0x13100  }
0x332: {  	[tilespmem:s25], [sflag:$0x3] =	stream.indirect_vreg.gather [hbm4b:s12+s16], $0x80, v4, vm0, $0xb8;
	[tilespmem:$0x18100] =	vst v63  }
0x333: {  	s18 =	simm.s32 $0x13900  }
0x334: {  	[tilespmem:s18], [sflag:$0x3] =	stream.indirect_vreg.gather [hbm4b:s1+s16], $0x80, v3, vm0, $0xb8;
	[tilespmem:$0x18100] =	vst v63  }
0x335: {  	s19 =	simm.s32 $0x14100  }
0x336: {  	[tilespmem:s19], [sflag:$0x3] =	stream.indirect_vreg.gather [hbm4b:s11+s16], $0x80, v3, vm0, $0xb8;
	[tilespmem:$0x18100] =	vst v63  }
0x337: {  	s21 =	simm.s32 $0x14900  }
0x338: {  	[tilespmem:s21], [sflag:$0x3] =	stream.indirect_vreg.gather [hbm4b:s12+s16], $0x80, v3, vm0, $0xb8;
	[tilespmem:$0x18100] =	vst v63  }
0x339: {  	s23 =	simm.s32 $0x0;
	s24 =	sand.u32 $0x1C00, s16;
	s22 =	rddreg [dreg:$0x16]  }
0x33a: {  	[hbm4b:s22+s16] =	stream.linear.scatter [tilespmem:s29], [sflag:$0x8], $0x3000, $0x38;
	[tilespmem:$0x18100] =	vst v63  }
0x33b: {  	s17 =	simm.s32 $0x0;
	s18 =	sand.u32 $0x1800, s23;
	_ =	swait.ge [sflag:s28], $0x3000  }
0x33c: {  	s25 =	sand.u32 $0x70, s17;
	s18 =	sadd.s32 s24, s18;
	[sflag:s28] =	ssyncset.done $0x0  }
0x33d: {  	s18 =	sor.u32 s25, s18;
	[sflag:s28] =	ssyncadd.s32 $0xFFFFD000  }
0x33e: {  	v3 =	vld [tilespmem:s18+$0x9480]  }
0x33f: {  	v9 =	vld [tilespmem:s18+$0x9100]  }
0x340: {  	v8 =	vld [tilespmem:s18+$0x9180]  }
0x341: {  	v6 =	vld [tilespmem:s18+$0x9200]  }
0x342: {  	v4 =	vld [tilespmem:s18+$0x9280]  }
0x343: {  	v5 =	vld [tilespmem:s18+$0x9300]  }
0x344: {  	v7 =	vld [tilespmem:s18+$0x9400]  }
0x345: {  	[tilespmem:s18+$0xC480] =	vst.add.f32.msk $0xffff, v3  }
0x346: {  	s25 =	sor.u32 $0xC100, s18;
	s24 =	sor.u32 $0xC180, s18;
	s23 =	sor.u32 $0xC280, s18;
	v3 =	vld [tilespmem:s18+$0x9380]  }
0x347: {  	s19 =	sor.u32 $0xC380, s18;
	s21 =	sor.u32 $0xC300, s18;
	s22 =	sor.u32 $0xC200, s18;
	[tilespmem:s25+$0x0] =	vst.add.f32.msk $0xffff, v9  }
.LBB2_26:
0x348: {  	s17 =	sadd.s32 $0x8, s17;
	[tilespmem:s24+$0x0] =	vst.add.f32.msk $0xffff, v8  }
0x349: {  	s24 =	sshll.u32 s17, $0x1C;
	p0 =	slt.u32 s17, $0x2F8;
	[tilespmem:s22+$0x0] =	vst.add.f32.msk $0xffff, v6  }
0x34a: {  	s16 =	sadd.s32 $0x40, s16;
	s22 =	sshra.s32 s24, $0x1F;
	[tilespmem:s23+$0x0] =	vst.add.f32.msk $0xffff, v4  }
0x34b: {  	s23 =	sand.u32 $0x1C00, s16;
	s22 =	sand.u32 $0x1800, s22;
	[tilespmem:s21+$0x0] =	vst.add.f32.msk $0xffff, v5  }
0x34c: {  	s21 =	sand.u32 $0x70, s17;
	s22 =	sadd.s32 s23, s22;
	[tilespmem:s19+$0x0] =	vst.add.f32.msk $0xffff, v3  }
0x34d: {  	[tilespmem:s18+$0xC400] =	vst.add.f32.msk $0xffff, v7;
	s18 =	sor.u32 s21, s22  }
0x34e: {  	s25 =	sor.u32 $0xC100, s18;
	s24 =	sor.u32 $0xC180, s18;
	s22 =	sor.u32 $0xC200, s18;
	v3 =	vld [tilespmem:s18+$0x9480]  }
0x34f: {  	s23 =	sor.u32 $0xC280, s18;
	s21 =	sor.u32 $0xC300, s18;
	s19 =	sor.u32 $0xC380, s18;
	v9 =	vld [tilespmem:s18+$0x9100]  }
0x350: {  	v8 =	vld [tilespmem:s18+$0x9180]  }
0x351: {  	v6 =	vld [tilespmem:s18+$0x9200]  }
0x352: {  	v4 =	vld [tilespmem:s18+$0x9280]  }
.Ltmp12:
0x353: {  	[tilespmem:s18+$0xC480] =	vst.add.f32.msk $0xffff, v3;
	(pc) =	sbr.rel @p0 .LBB2_26-.Ltmp12, $4  }
0x354: {  	v5 =	vld [tilespmem:s18+$0x9300]  }
0x355: {  	v3 =	vld [tilespmem:s18+$0x9380]  }
0x356: {  	v7 =	vld [tilespmem:s18+$0x9400]  }
0x357: {  	[tilespmem:s25+$0x0] =	vst.add.f32.msk $0xffff, v9  }
0x358: {  	[tilespmem:s24+$0x0] =	vst.add.f32.msk $0xffff, v8  }
0x359: {  	[tilespmem:s22+$0x0] =	vst.add.f32.msk $0xffff, v6  }
0x35a: {  	[tilespmem:s23+$0x0] =	vst.add.f32.msk $0xffff, v4  }
0x35b: {  	[tilespmem:s21+$0x0] =	vst.add.f32.msk $0xffff, v5  }
0x35c: {  	[tilespmem:s19+$0x0] =	vst.add.f32.msk $0xffff, v3  }
0x35d: {  	[tilespmem:s18+$0xC400] =	vst.add.f32.msk $0xffff, v7  }
0x35e: {  	_ =	swait.ge [sflag:s13], $0x3000  }
0x35f: {  	[sflag:s13] =	ssyncset.done $0x0  }
0x360: {  	[sflag:s13] =	ssyncadd.s32 $0xFFFFD000  }
0x361: {  	v3 =	vld [tilespmem:$0xF0];
	_ =	sdelay $0x4  }
0x362: {  	v4 =	vshrl.u32 v3, $0x3  }
0x363: {  	v4 =	vmul.u32 $0x30, v4  }
0x364: {  	v3 =	vand.u32 $0x7, v3  }
0x365: {  	v3 =	vor.u32 v3, v4  }
0x366: {  	v4 =	vperm.xlane v3, v0;
	_ =	sdelay $0x1  }
0x367: {  	v4 =	vadd.s32 v1, v4;
	_ =	sdelay $0x3  }
0x368: {  	s16 =	simm.s32 $0x0;
	v3 =	vperm.xlane v3, v2  }
0x369: {  	[tilespmem:s29], [sflag:$0x4] =	stream.indirect_vreg.gather [hbm4b:s1+s16], $0x80, v4, vm0, $0xb8;
	[tilespmem:$0x18100] =	vst v63  }
0x36a: {  	v3 =	vadd.s32 v1, v3  }
0x36b: {  	[tilespmem:s4], [sflag:$0x4] =	stream.indirect_vreg.gather [hbm4b:s11+s16], $0x80, v4, vm0, $0xb8;
	[tilespmem:$0x18100] =	vst v63  }
0x36c: {  	_ = 	snop  }
0x36d: {  	[tilespmem:s10], [sflag:$0x4] =	stream.indirect_vreg.gather [hbm4b:s12+s16], $0x80, v4, vm0, $0xb8;
	[tilespmem:$0x18100] =	vst v63  }
0x36e: {  	_ = 	snop  }
0x36f: {  	[tilespmem:s31], [sflag:$0x4] =	stream.indirect_vreg.gather [hbm4b:s1+s16], $0x80, v3, vm0, $0xb8;
	[tilespmem:$0x18100] =	vst v63  }
0x370: {  	_ = 	snop  }
0x371: {  	[tilespmem:s2], [sflag:$0x4] =	stream.indirect_vreg.gather [hbm4b:s11+s16], $0x80, v3, vm0, $0xb8;
	[tilespmem:$0x18100] =	vst v63  }
0x372: {  	_ = 	snop  }
0x373: {  	[tilespmem:s0], [sflag:$0x4] =	stream.indirect_vreg.gather [hbm4b:s12+s16], $0x80, v3, vm0, $0xb8;
	[tilespmem:$0x18100] =	vst v63  }
0x374: {  	s23 =	simm.s32 $0x0;
	s24 =	sand.u32 $0x1C00, s16;
	s17 =	rddreg [dreg:$0x17]  }
0x375: {  	[hbm4b:s17+s16] =	stream.linear.scatter [tilespmem:s5], [sflag:$0x5], $0x3000, $0x38;
	[tilespmem:$0x18100] =	vst v63  }
0x376: {  	s18 =	sand.u32 $0x1800, s23;
	s17 =	simm.s32 $0x0;
	_ =	swait.ge [sflag:s30], $0x3000  }
0x377: {  	s18 =	sadd.s32 s24, s18;
	s25 =	sand.u32 $0x70, s17;
	[sflag:s30] =	ssyncset.done $0x0  }
0x378: {  	s18 =	sor.u32 s25, s18;
	[sflag:s30] =	ssyncadd.s32 $0xFFFFD000  }
0x379: {  	v3 =	vld [tilespmem:s18+$0x9480]  }
0x37a: {  	v9 =	vld [tilespmem:s18+$0x9100]  }
0x37b: {  	v8 =	vld [tilespmem:s18+$0x9180]  }
0x37c: {  	v7 =	vld [tilespmem:s18+$0x9200]  }
0x37d: {  	v5 =	vld [tilespmem:s18+$0x9280]  }
0x37e: {  	v6 =	vld [tilespmem:s18+$0x9300]  }
0x37f: {  	v4 =	vld [tilespmem:s18+$0x9400]  }
0x380: {  	[tilespmem:s18+$0xF480] =	vst.add.f32.msk $0xffff, v3  }
0x381: {  	v3 =	vld [tilespmem:s18+$0x9380]  }
0x382: {  	[tilespmem:s18+$0xF100] =	vst.add.f32.msk $0xffff, v9  }
.LBB2_28:
0x383: {  	s17 =	sadd.s32 $0x8, s17;
	[tilespmem:s18+$0xF180] =	vst.add.f32.msk $0xffff, v8  }
0x384: {  	s19 =	sshll.u32 s17, $0x1C;
	p0 =	slt.u32 s17, $0x2F8;
	[tilespmem:s18+$0xF200] =	vst.add.f32.msk $0xffff, v7  }
0x385: {  	s16 =	sadd.s32 $0x40, s16;
	s19 =	sshra.s32 s19, $0x1F;
	[tilespmem:s18+$0xF280] =	vst.add.f32.msk $0xffff, v5  }
0x386: {  	s21 =	sand.u32 $0x1C00, s16;
	s19 =	sand.u32 $0x1800, s19;
	[tilespmem:s18+$0xF300] =	vst.add.f32.msk $0xffff, v6  }
0x387: {  	s22 =	sand.u32 $0x70, s17;
	s19 =	sadd.s32 s21, s19;
	[tilespmem:s18+$0xF380] =	vst.add.f32.msk $0xffff, v3  }
0x388: {  	[tilespmem:s18+$0xF400] =	vst.add.f32.msk $0xffff, v4;
	s18 =	sor.u32 s22, s19  }
0x389: {  	v3 =	vld [tilespmem:s18+$0x9480]  }
0x38a: {  	v9 =	vld [tilespmem:s18+$0x9100]  }
0x38b: {  	v8 =	vld [tilespmem:s18+$0x9180]  }
0x38c: {  	v7 =	vld [tilespmem:s18+$0x9200]  }
0x38d: {  	v5 =	vld [tilespmem:s18+$0x9280]  }
.Ltmp13:
0x38e: {  	[tilespmem:s18+$0xF480] =	vst.add.f32.msk $0xffff, v3;
	(pc) =	sbr.rel @p0 .LBB2_28-.Ltmp13, $4  }
0x38f: {  	v6 =	vld [tilespmem:s18+$0x9300]  }
0x390: {  	v3 =	vld [tilespmem:s18+$0x9380]  }
0x391: {  	v4 =	vld [tilespmem:s18+$0x9400]  }
0x392: {  	[tilespmem:s18+$0xF100] =	vst.add.f32.msk $0xffff, v9  }
0x393: {  	[tilespmem:s18+$0xF180] =	vst.add.f32.msk $0xffff, v8  }
0x394: {  	[tilespmem:s18+$0xF200] =	vst.add.f32.msk $0xffff, v7  }
0x395: {  	[tilespmem:s18+$0xF280] =	vst.add.f32.msk $0xffff, v5  }
0x396: {  	[tilespmem:s18+$0xF300] =	vst.add.f32.msk $0xffff, v6  }
0x397: {  	[tilespmem:s18+$0xF380] =	vst.add.f32.msk $0xffff, v3  }
0x398: {  	s16 =	simm.s32 $0x0;
	[tilespmem:s18+$0xF400] =	vst.add.f32.msk $0xffff, v4  }
0x399: {  	s25 =	simm.s32 $0x0;
	s19 =	sand.u32 $0x1C00, s16;
	s17 =	rddreg [dreg:$0x19]  }
0x39a: {  	[hbm4b:s17+s16] =	stream.linear.scatter [tilespmem:s14], [sflag:$0x6], $0x3000, $0x38;
	[tilespmem:$0x18100] =	vst v63  }
0x39b: {  	s18 =	sand.u32 $0x1800, s25;
	s17 =	simm.s32 $0x0;
	_ =	swait.ge [sflag:s6], $0x3000  }
0x39c: {  	s18 =	sadd.s32 s19, s18;
	s21 =	sand.u32 $0x70, s17;
	[sflag:s6] =	ssyncset.done $0x0  }
0x39d: {  	s23 =	sor.u32 s21, s18;
	[sflag:s6] =	ssyncadd.s32 $0xFFFFD000  }
0x39e: {  	v5 =	vld [tilespmem:s23+$0x9480]  }
0x39f: {  	v9 =	vld [tilespmem:s23+$0x9100]  }
0x3a0: {  	v6 =	vld [tilespmem:s23+$0x9180]  }
0x3a1: {  	v3 =	vld [tilespmem:s23+$0x9200]  }
0x3a2: {  	v4 =	vld [tilespmem:s23+$0x9280]  }
0x3a3: {  	v8 =	vld [tilespmem:s23+$0x9300]  }
0x3a4: {  	s18 =	sadd.s32 $0x12100, s23;
	v7 =	vld [tilespmem:s23+$0x9380]  }
0x3a5: {  	[tilespmem:s18+$0x380] =	vst.add.f32.msk $0xffff, v5  }
0x3a6: {  	v5 =	vld [tilespmem:s23+$0x9400]  }
0x3a7: {  	s22 =	sor.u32 $0x80, s18;
	s21 =	sor.u32 $0x200, s18;
	s19 =	sor.u32 $0x280, s18;
	[tilespmem:s23+$0x12100] =	vst.add.f32.msk $0xffff, v9  }
.LBB2_30:
0x3a8: {  	s17 =	sadd.s32 $0x8, s17;
	[tilespmem:s22+$0x0] =	vst.add.f32.msk $0xffff, v6  }
0x3a9: {  	s22 =	sshll.u32 s17, $0x1C;
	p0 =	slt.u32 s17, $0x2F8;
	[tilespmem:s18+$0x100] =	vst.add.f32.msk $0xffff, v3  }
0x3aa: {  	s16 =	sadd.s32 $0x40, s16;
	s22 =	sshra.s32 s22, $0x1F;
	[tilespmem:s18+$0x180] =	vst.add.f32.msk $0xffff, v4  }
0x3ab: {  	s23 =	sand.u32 $0x1C00, s16;
	s22 =	sand.u32 $0x1800, s22;
	[tilespmem:s21+$0x0] =	vst.add.f32.msk $0xffff, v8  }
0x3ac: {  	s21 =	sand.u32 $0x70, s17;
	s22 =	sadd.s32 s23, s22;
	[tilespmem:s19+$0x0] =	vst.add.f32.msk $0xffff, v7  }
0x3ad: {  	s23 =	sor.u32 s21, s22;
	[tilespmem:s18+$0x300] =	vst.add.f32.msk $0xffff, v5  }
0x3ae: {  	v5 =	vld [tilespmem:s23+$0x9480]  }
0x3af: {  	v9 =	vld [tilespmem:s23+$0x9100]  }
0x3b0: {  	v6 =	vld [tilespmem:s23+$0x9180]  }
0x3b1: {  	s18 =	sadd.s32 $0x12100, s23;
	v3 =	vld [tilespmem:s23+$0x9200]  }
0x3b2: {  	s22 =	sor.u32 $0x80, s18;
	v4 =	vld [tilespmem:s23+$0x9280]  }
.Ltmp14:
0x3b3: {  	s21 =	sor.u32 $0x200, s18;
	s19 =	sor.u32 $0x280, s18;
	[tilespmem:s18+$0x380] =	vst.add.f32.msk $0xffff, v5;
	(pc) =	sbr.rel @p0 .LBB2_30-.Ltmp14, $4  }
0x3b4: {  	v8 =	vld [tilespmem:s23+$0x9300]  }
0x3b5: {  	v7 =	vld [tilespmem:s23+$0x9380]  }
0x3b6: {  	v5 =	vld [tilespmem:s23+$0x9400]  }
0x3b7: {  	[tilespmem:s23+$0x12100] =	vst.add.f32.msk $0xffff, v9  }
0x3b8: {  	[tilespmem:s22+$0x0] =	vst.add.f32.msk $0xffff, v6  }
0x3b9: {  	[tilespmem:s18+$0x100] =	vst.add.f32.msk $0xffff, v3  }
0x3ba: {  	[tilespmem:s18+$0x180] =	vst.add.f32.msk $0xffff, v4  }
0x3bb: {  	[tilespmem:s21+$0x0] =	vst.add.f32.msk $0xffff, v8  }
0x3bc: {  	[tilespmem:s19+$0x0] =	vst.add.f32.msk $0xffff, v7  }
0x3bd: {  	s16 =	simm.s32 $0x0;
	[tilespmem:s18+$0x300] =	vst.add.f32.msk $0xffff, v5  }
0x3be: {  	s23 =	simm.s32 $0x0;
	s24 =	sand.u32 $0x1C00, s16;
	s17 =	rddreg [dreg:$0x1a]  }
0x3bf: {  	[hbm4b:s17+s16] =	stream.linear.scatter [tilespmem:s20], [sflag:$0x7], $0x3000, $0x38;
	[tilespmem:$0x18100] =	vst v63  }
0x3c0: {  	s18 =	sand.u32 $0x1800, s23;
	s17 =	simm.s32 $0x0;
	_ =	swait.ge [sflag:s8], $0x3000  }
0x3c1: {  	s18 =	sadd.s32 s24, s18;
	s25 =	sand.u32 $0x70, s17;
	[sflag:s8] =	ssyncset.done $0x0  }
0x3c2: {  	s23 =	sor.u32 s25, s18;
	[sflag:s8] =	ssyncadd.s32 $0xFFFFD000  }
0x3c3: {  	v5 =	vld [tilespmem:s23+$0x9480]  }
0x3c4: {  	v9 =	vld [tilespmem:s23+$0x9100]  }
0x3c5: {  	v6 =	vld [tilespmem:s23+$0x9180]  }
0x3c6: {  	v3 =	vld [tilespmem:s23+$0x9200]  }
0x3c7: {  	v4 =	vld [tilespmem:s23+$0x9280]  }
0x3c8: {  	v8 =	vld [tilespmem:s23+$0x9300]  }
0x3c9: {  	s18 =	sadd.s32 $0x15100, s23;
	v7 =	vld [tilespmem:s23+$0x9380]  }
0x3ca: {  	[tilespmem:s18+$0x380] =	vst.add.f32.msk $0xffff, v5  }
0x3cb: {  	v5 =	vld [tilespmem:s23+$0x9400]  }
0x3cc: {  	s22 =	sor.u32 $0x80, s18;
	s21 =	sor.u32 $0x200, s18;
	s19 =	sor.u32 $0x280, s18;
	[tilespmem:s23+$0x15100] =	vst.add.f32.msk $0xffff, v9  }
.LBB2_32:
0x3cd: {  	s17 =	sadd.s32 $0x8, s17;
	[tilespmem:s22+$0x0] =	vst.add.f32.msk $0xffff, v6  }
0x3ce: {  	s22 =	sshll.u32 s17, $0x1C;
	p0 =	slt.u32 s17, $0x2F8;
	[tilespmem:s18+$0x100] =	vst.add.f32.msk $0xffff, v3  }
0x3cf: {  	s16 =	sadd.s32 $0x40, s16;
	s22 =	sshra.s32 s22, $0x1F;
	[tilespmem:s18+$0x180] =	vst.add.f32.msk $0xffff, v4  }
0x3d0: {  	s23 =	sand.u32 $0x1C00, s16;
	s22 =	sand.u32 $0x1800, s22;
	[tilespmem:s21+$0x0] =	vst.add.f32.msk $0xffff, v8  }
0x3d1: {  	s21 =	sand.u32 $0x70, s17;
	s22 =	sadd.s32 s23, s22;
	[tilespmem:s19+$0x0] =	vst.add.f32.msk $0xffff, v7  }
0x3d2: {  	s23 =	sor.u32 s21, s22;
	[tilespmem:s18+$0x300] =	vst.add.f32.msk $0xffff, v5  }
0x3d3: {  	v5 =	vld [tilespmem:s23+$0x9480]  }
0x3d4: {  	v9 =	vld [tilespmem:s23+$0x9100]  }
0x3d5: {  	v6 =	vld [tilespmem:s23+$0x9180]  }
0x3d6: {  	s18 =	sadd.s32 $0x15100, s23;
	v3 =	vld [tilespmem:s23+$0x9200]  }
0x3d7: {  	s22 =	sor.u32 $0x80, s18;
	v4 =	vld [tilespmem:s23+$0x9280]  }
.Ltmp15:
0x3d8: {  	s21 =	sor.u32 $0x200, s18;
	s19 =	sor.u32 $0x280, s18;
	[tilespmem:s18+$0x380] =	vst.add.f32.msk $0xffff, v5;
	(pc) =	sbr.rel @p0 .LBB2_32-.Ltmp15, $4  }
0x3d9: {  	v8 =	vld [tilespmem:s23+$0x9300]  }
0x3da: {  	v7 =	vld [tilespmem:s23+$0x9380]  }
0x3db: {  	v5 =	vld [tilespmem:s23+$0x9400]  }
0x3dc: {  	[tilespmem:s23+$0x15100] =	vst.add.f32.msk $0xffff, v9  }
0x3dd: {  	[tilespmem:s22+$0x0] =	vst.add.f32.msk $0xffff, v6  }
0x3de: {  	[tilespmem:s18+$0x100] =	vst.add.f32.msk $0xffff, v3  }
0x3df: {  	[tilespmem:s18+$0x180] =	vst.add.f32.msk $0xffff, v4  }
0x3e0: {  	[tilespmem:s21+$0x0] =	vst.add.f32.msk $0xffff, v8  }
0x3e1: {  	[tilespmem:s19+$0x0] =	vst.add.f32.msk $0xffff, v7  }
0x3e2: {  	[tilespmem:s18+$0x300] =	vst.add.f32.msk $0xffff, v5  }
0x3e3: {  	s16 =	rddreg [dreg:$0x1b]  }
0x3e4: {  	[hbm4b:s16+s3] =	stream.linear.scatter [tilespmem:s29], [sflag:$0x8], $0x3000, $0x38;
	[tilespmem:$0x18100] =	vst v63  }
0x3e5: {  	_ =	swait.ge [sflag:s26], $0x3000  }
0x3e6: {  	[sflag:s26] =	ssyncset.done $0x0  }
0x3e7: {  	[sflag:s26] =	ssyncadd.s32 $0xFFFFD000  }
0x3e8: {  	_ =	swait.ge [sflag:s7], $0x3000  }
0x3e9: {  	[sflag:s7] =	ssyncset.done $0x0  }
0x3ea: {  	[sflag:s7] =	ssyncadd.s32 $0xFFFFD000  }
0x3eb: {  	_ =	swait.ge [sflag:s9], $0x3000  }
0x3ec: {  	[sflag:s9] =	ssyncset.done $0x0  }
0x3ed: {  	[sflag:s9] =	ssyncadd.s32 $0xFFFFD000  }
0x3ee: {  	_ =	swait.ge [sflag:s13], $0x3000  }
0x3ef: {  	s15 =	sadd.s32 $0x1, s15;
	s25 =	rddreg [dreg:$0x18]  }
0x3f0: {  	p0 =	sne.s32 s15, s25  }
.Ltmp16:
0x3f1: {  	_ = 	snop;
	(pc) =	sbr.rel @p0 .LBB2_1-.Ltmp16, $3  }
0x3f2: {  	_ =	sdelay $0x1  }
0x3f3: {  	[sflag:s13] =	ssyncset.done $0x0  }
0x3f4: {  	[sflag:s13] =	ssyncadd.s32 $0xFFFFD000  }
0x3f5: {  	_ =	sfence.sel $0x180000  }
0x3f6: {  	[bflag:$0x0] =	sbarrier.arrive $0xFFFF  }
0x3f7: {  	_ =	strace $0x90000047  }
0x3f8: {  	s0 =	stileid.u32;
	[bflag:$0x2] =	sbarrier.arrive $0xFFFF  }
0x3f9: {  	p0 =	sne.s32 s0, $0x0;
	s0 =	rddreg [dreg:$0x4]  }
0x3fa: {  	s0 =	sadd.s32 @!p0 $0x100000, s0  }
0x3fb: {  	[sflag:s0] =	ssyncadd.tile.s32 @!p0 $0x1;
	_ =	shalt  }
.Lfunc_end2:
_tile_overlayer_lowered:
.L_overlay_start_2:
0x3fc: {  	(tag) =	ssettag $0x2  }
0x3fd: {  	s0 =	rddreg [dreg:$0x0];
	s2 =	stileid.u32  }
0x3fe: {  	s1 =	rddreg [dreg:$0x1];
	p0 =	sne.s32 s2, $0x0  }
0x3ff: {  	s3 =	rddreg [dreg:$0x2];
	[bflag:$0x3] =	sbarrier.arrive $0xFFFF;
	s2 =	simm.s32 @!p0 $0x1C0F  }
0x400: {  	[timem:s3], [sflag:s2] =	dma.local @!p0 [hbm:s0], s1  }
0x401: {  	s0 =	simm.s32 @!p0 $0xF  }
0x402: {  	_ =	swait.ge @!p0 [sflag:s0], s1  }
0x403: {  	s1 =	ssub.s32 @!p0 $0x0, s1;
	[sflag:s0] =	ssyncset.done @!p0 $0x0  }
0x404: {  	[sflag:s0] =	ssyncadd.s32 @!p0 s1  }
0x405: {  	[bflag:$0x3] =	sbarrier.arrive $0xFFFF  }
0x406: {  	_ =	shalt  }

</sc_bundles>
